<compile_context>
chip_gen: v7x
topology: tpu7x:2x2x1
jax: 0.10.2.dev20260603
libtpu: 0.0.44.dev20260713+nightly
codegen_flags: <defaults>
</compile_context>

<pallas_src>
import functools

import jax
import jax.numpy as jnp
from jax import lax
from jax.experimental import pallas as pl
from jax.experimental.pallas import tpu as pltpu
from jax.experimental.pallas import tpu_sc as plsc

N = 100000
B = 10000
K = 16
D = 256
A = 64

BB = 128
GRID = (B + BB - 1) // BB
SEC = GRID * BB
CP = 10240

NW = 32
CHUNK = 128
PROWS = CP + K * SEC
NCH = PROWS // (NW * CHUNK)
RPW = NCH * CHUNK
P = NW * RPW


def _sc_gather(table, idx_ph):
    mesh = plsc.VectorSubcoreMesh(core_axis_name="c", subcore_axis_name="s")

    @functools.partial(
        pl.kernel,
        mesh=mesh,
        out_type=jax.ShapeDtypeStruct((P, D), jnp.float32),
        scratch_types=[
            pltpu.VMEM((RPW,), jnp.int32),
            pltpu.VMEM((CHUNK, D), jnp.float32),
            pltpu.VMEM((CHUNK, D), jnp.float32),
            pltpu.SemaphoreType.DMA,
            pltpu.SemaphoreType.DMA,
        ],
    )
    def gather_kernel(table_hbm, idx_hbm, out_hbm, idx_v, buf0, buf1,
                      sg0, sg1):
        nc = 2
        wid = lax.axis_index("s") * nc + lax.axis_index("c")
        base = wid * RPW
        bufs = (buf0, buf1)
        sgs = (sg0, sg1)
        pltpu.sync_copy(idx_hbm.at[pl.ds(base, RPW)], idx_v)

        def g_start(c, b):
            pltpu.async_copy(
                table_hbm.at[idx_v.at[pl.ds(c * CHUNK, CHUNK)]],
                bufs[b], sgs[b])

        def finish(c, b):
            pltpu.make_async_copy(
                table_hbm.at[idx_v.at[pl.ds(0, CHUNK)]], bufs[b],
                sgs[b]).wait()
            pltpu.sync_copy(bufs[b],
                            out_hbm.at[pl.ds(base + c * CHUNK, CHUNK)])

        g_start(0, 0)

        def body(i, carry):
            c0 = i * 2
            g_start(c0 + 1, 1)
            finish(c0, 0)

            @pl.when(c0 + 2 < NCH)
            def _():
                g_start(c0 + 2, 0)

            finish(c0 + 1, 1)
            return carry

        lax.fori_loop(0, NCH // 2, body, 0)

    return gather_kernel(table, idx_ph)


def _tc_body(*refs):
    cen_ref = refs[0]
    nb_refs = refs[1:1 + K]
    (nbw_ref, wq_ref, wk_ref, wg_ref, bg_ref, wo_ref, bo_ref, gamma_ref,
     beta_ref, out_ref) = refs[1 + K:]
    scale = A ** -0.5
    cen = cen_ref[...]
    q = jnp.dot(cen, wq_ref[...], preferred_element_type=jnp.float32)
    wk = wk_ref[...]
    nbs = [r[...] for r in nb_refs]
    cols = []
    for k in range(K):
        kp = jnp.dot(nbs[k], wk, preferred_element_type=jnp.float32)
        cols.append(jnp.sum(q * kp, axis=1, keepdims=True))
    s = jnp.concatenate(cols, axis=1) * scale
    s = s + jnp.log(jnp.maximum(nbw_ref[...], 1e-6))
    s = s - jnp.max(s, axis=1, keepdims=True)
    e = jnp.exp(s)
    attn = e / jnp.sum(e, axis=1, keepdims=True)
    ctx = attn[:, 0:1] * nbs[0]
    for k in range(1, K):
        ctx = ctx + attn[:, k:k + 1] * nbs[k]
    gate = jax.nn.sigmoid(
        jnp.dot(cen, wg_ref[...], preferred_element_type=jnp.float32)
        + bg_ref[...])
    ctx = gate * ctx
    wo = wo_ref[...]
    enr = (jnp.dot(cen, wo[:D], preferred_element_type=jnp.float32)
           + jnp.dot(ctx, wo[D:], preferred_element_type=jnp.float32)
           + bo_ref[...])
    x = enr + cen
    mean = jnp.mean(x, axis=1, keepdims=True)
    xc = x - mean
    var = jnp.mean(xc * xc, axis=1, keepdims=True)
    out_ref[...] = gamma_ref[...] * xc * lax.rsqrt(var + 1e-5) + beta_ref[...]


def _nb_spec(k):
    off = (CP + k * SEC) // BB
    return pl.BlockSpec((BB, D), lambda b, off=off: (b + off, 0))


def _tc_compute(g, nbw, wq, wk, wg, bg, wo, bo, gamma, beta):
    return pl.pallas_call(
        _tc_body,
        grid=(GRID,),
        in_specs=[pl.BlockSpec((BB, D), lambda b: (b, 0))]
        + [_nb_spec(k) for k in range(K)]
        + [
            pl.BlockSpec((BB, K), lambda b: (b, 0)),
            pl.BlockSpec((D, A), lambda b: (0, 0)),
            pl.BlockSpec((D, A), lambda b: (0, 0)),
            pl.BlockSpec((D, D), lambda b: (0, 0)),
            pl.BlockSpec((1, D), lambda b: (0, 0)),
            pl.BlockSpec((2 * D, D), lambda b: (0, 0)),
            pl.BlockSpec((1, D), lambda b: (0, 0)),
            pl.BlockSpec((1, D), lambda b: (0, 0)),
            pl.BlockSpec((1, D), lambda b: (0, 0)),
        ],
        out_specs=pl.BlockSpec((BB, D), lambda b: (b, 0)),
        out_shape=jax.ShapeDtypeStruct((SEC, D), jnp.float32),
    )(g, *([g] * K), nbw, wq, wk, wg, bg, wo, bo, gamma, beta)


def kernel(all_embs, center_idx, nb_idx, nb_weights, Wq, Wk, Wg, bg, Wo, bo,
           gamma, beta):
    ci = jnp.pad(center_idx.astype(jnp.int32), (0, CP - B))
    nbt = jnp.pad(nb_idx.astype(jnp.int32).T, ((0, 0), (0, SEC - B)))
    nbw = jnp.pad(nb_weights, ((0, SEC - B), (0, 0)), constant_values=1.0)
    idx_all = jnp.concatenate([ci, nbt.reshape(-1)])
    g = _sc_gather(all_embs, idx_all)
    out = _tc_compute(g, nbw, Wq, Wk, Wg, bg.reshape(1, D), Wo,
                      bo.reshape(1, D), gamma.reshape(1, D),
                      beta.reshape(1, D))
    return out[:B]

# --- scband reference (transcript-rebuilt; emitter-appended) ---
"""Pipeline reference for scband-neighborhood-attention-module-6923487282486 (READ-ONLY COPY).

The authoritative reference and input builder live on the scoring server;
editing this copy changes nothing except your own understanding.
"""

import jax, jax.numpy as jnp
import numpy as np

N = 100000
B = 10000
K = 16
D = 256
A = 64


def setup_inputs(seed: int = 0) -> dict:
    key = jax.random.key(seed)
    ks = jax.random.split(key, 12)
    all_embs = jax.random.normal(ks[0], (N, D), dtype=jnp.float32)
    center_idx = jax.random.randint(ks[1], (B,), 0, N)
    nb_idx = jax.random.randint(ks[2], (B, K), 0, N)
    nb_weights = jax.random.uniform(ks[3], (B, K), dtype=jnp.float32)
    s_in = 1.0 / np.sqrt(D)
    s_cat = 1.0 / np.sqrt(2 * D)
    Wq = jax.random.uniform(ks[4], (D, A), dtype=jnp.float32, minval=-s_in, maxval=s_in)
    Wk = jax.random.uniform(ks[5], (D, A), dtype=jnp.float32, minval=-s_in, maxval=s_in)
    Wg = jax.random.uniform(ks[6], (D, D), dtype=jnp.float32, minval=-s_in, maxval=s_in)
    bg = jax.random.uniform(ks[7], (D,), dtype=jnp.float32, minval=-s_in, maxval=s_in)
    Wo = jax.random.uniform(ks[8], (2 * D, D), dtype=jnp.float32, minval=-s_cat, maxval=s_cat)
    bo = jax.random.uniform(ks[9], (D,), dtype=jnp.float32, minval=-s_cat, maxval=s_cat)
    gamma = jnp.ones((D,), dtype=jnp.float32)
    beta = jnp.zeros((D,), dtype=jnp.float32)
    return {"all_embs": all_embs, "center_idx": center_idx, "nb_idx": nb_idx,
            "nb_weights": nb_weights, "Wq": Wq, "Wk": Wk, "Wg": Wg, "bg": bg,
            "Wo": Wo, "bo": bo, "gamma": gamma, "beta": beta}


def reference(all_embs, center_idx, nb_idx, nb_weights, Wq, Wk, Wg, bg, Wo, bo, gamma, beta):
    scale = A ** (-0.5)
    Bn, Kn = nb_idx.shape
    Dn = all_embs.shape[1]
    center = jnp.take(all_embs, center_idx, axis=0)                  # [B, D]
    nbs = jnp.take(all_embs, nb_idx.reshape(-1), axis=0).reshape(Bn, Kn, Dn)  # [B, K, D]
    q = (center @ Wq)[:, None, :]                                    # [B, 1, A]
    k = nbs @ Wk                                                     # [B, K, A]
    attn = (q * k).sum(-1) * scale                                   # [B, K]
    attn = attn + jnp.log(jnp.clip(nb_weights, 1e-06, None))
    attn = jax.nn.softmax(attn, axis=-1)
    gate = jax.nn.sigmoid(center @ Wg + bg)                          # [B, D]
    context = (attn[..., None] * nbs).sum(axis=1)                    # [B, D]
    context = gate * context
    combined = jnp.concatenate([center, context], axis=-1)           # [B, 2D]
    enriched = combined @ Wo + bo                                    # [B, D]
    x = enriched + center
    mean = x.mean(axis=-1, keepdims=True)
    var = ((x - mean) ** 2).mean(axis=-1, keepdims=True)
    return gamma * (x - mean) / jnp.sqrt(var + 1e-5) + beta

if __name__ == "__main__":
    import jax
    _d = setup_inputs()
    print(jax.jit(kernel)(*tuple(_d.values())))

</pallas_src>

<mosaic_0001>
#map = affine_map<(d0, d1) -> (0, 0)>
#map1 = affine_map<(d0, d1) -> (0)>
module attributes {stable_mosaic.version = 14 : i64} {
  func.func @gather_kernel(%arg0: i32, %arg1: i32, %arg2: memref<100000x256xf32, #tpu.memory_space<hbm>>, %arg3: memref<172032xi32, #tpu.memory_space<hbm>>, %arg4: memref<172032x256xf32, #tpu.memory_space<hbm>>, %arg5: memref<5376xi32, #tpu.memory_space<vmem>>, %arg6: memref<128x256xf32, #tpu.memory_space<vmem>>, %arg7: memref<128x256xf32, #tpu.memory_space<vmem>>, %arg8: memref<!tpu.dma_semaphore, #tpu.memory_space<semaphore_mem>>, %arg9: memref<!tpu.dma_semaphore, #tpu.memory_space<semaphore_mem>>) attributes {dimension_semantics = [#tpu.dimension_semantics<core_parallel>, #tpu.dimension_semantics<subcore_parallel>], iteration_bounds = array<i64: 2, 16>, scalar_prefetch = 0 : i64, scratch_operands = 5 : i64, tpu.core_type = #tpu.core_type<sc_vector_subcore>, window_params = [{transform_indices = #map}, {transform_indices = #map1}, {transform_indices = #map}]} {
    %mul3A = arith.constant 2 : i32
    %mul3A_0 = arith.muli %arg1, %mul3A : i32
    %add3A = arith.addi %mul3A_0, %arg0 : i32
    %mul3A_1 = arith.constant 5376 : i32
    %mul3A_2 = arith.muli %add3A, %mul3A_1 : i32
    "tpu.region"() ({
      %run_scoped3A = tpu.sem_alloc : memref<!tpu.dma_semaphore, #tpu.memory_space<semaphore_mem>>
      %dma_start3A_12 = tpu.memref_slice %arg3[%mul3A_2] : memref<172032xi32, #tpu.memory_space<hbm>> -> memref<5376xi32, #tpu.memory_space<hbm>>
      %dma_start3A_13 = tpu.memref_slice %arg3[%mul3A_2] : memref<172032xi32, #tpu.memory_space<hbm>> -> memref<5376xi32, #tpu.memory_space<hbm>>
      tpu.enqueue_dma source(%dma_start3A_13 : memref<5376xi32, #tpu.memory_space<hbm>>) target(%arg5 : memref<5376xi32, #tpu.memory_space<vmem>>) target_semaphore(%run_scoped3A : memref<!tpu.dma_semaphore, #tpu.memory_space<semaphore_mem>>)
      %dma_wait3A = tpu.memref_slice %arg3[%mul3A_2] : memref<172032xi32, #tpu.memory_space<hbm>> -> memref<5376xi32, #tpu.memory_space<hbm>>
      %dma_wait3A_14 = tpu.memref_slice %arg3[%mul3A_2] : memref<172032xi32, #tpu.memory_space<hbm>> -> memref<5376xi32, #tpu.memory_space<hbm>>
      tpu.wait_dma2 semaphore(%run_scoped3A : memref<!tpu.dma_semaphore, #tpu.memory_space<semaphore_mem>>) src(%dma_wait3A_14 : memref<5376xi32, #tpu.memory_space<hbm>>) dst(%arg5 : memref<5376xi32, #tpu.memory_space<vmem>>)
      tpu.yield
    }) : () -> ()
    %dma_start3A = arith.constant 0 : i32
    %dma_start3A_3 = tpu.memref_slice %arg5[%dma_start3A] : memref<5376xi32, #tpu.memory_space<vmem>> -> memref<128xi32, #tpu.memory_space<vmem>>
    %dma_start3A_4 = arith.constant 0 : i32
    %dma_start3A_5 = arith.constant 0 : i32
    %dma_start3A_6 = tpu.memref_slice %arg2[%dma_start3A_4, %dma_start3A_5] : memref<100000x256xf32, #tpu.memory_space<hbm>> -> memref<100000x256xf32, #tpu.memory_space<hbm>>
    tpu.enqueue_indirect_dma source(%dma_start3A_6 : memref<100000x256xf32, #tpu.memory_space<hbm>>) target(%arg6 : memref<128x256xf32, #tpu.memory_space<vmem>>) offsets(%dma_start3A_3 : memref<128xi32, #tpu.memory_space<vmem>>) semaphore(%arg8 : memref<!tpu.dma_semaphore, #tpu.memory_space<semaphore_mem>>)
    %scan3A = arith.constant 0 : i32
    %scan3A_7 = arith.constant 0 : i32
    %scan3A_8 = arith.constant 21 : i32
    %scan3A_9 = arith.addi %scan3A_7, %scan3A_8 : i32
    %scan3A_10 = arith.constant 1 : i32
    scf.for %scan3A_12 = %scan3A_7 to %scan3A_9 step %scan3A_10  : i32 {
      %mul3A_13 = arith.constant 2 : i32
      %mul3A_14 = arith.muli %scan3A_12, %mul3A_13 : i32
      %add3A_15 = arith.constant 1 : i32
      %add3A_16 = arith.addi %mul3A_14, %add3A_15 : i32
      %mul3A_17 = arith.constant 128 : i32
      %mul3A_18 = arith.muli %add3A_16, %mul3A_17 : i32
      %dma_start3A_19 = tpu.memref_slice %arg5[%mul3A_18] : memref<5376xi32, #tpu.memory_space<vmem>> -> memref<128xi32, #tpu.memory_space<vmem>>
      %dma_start3A_20 = arith.constant 0 : i32
      %dma_start3A_21 = arith.constant 0 : i32
      %dma_start3A_22 = tpu.memref_slice %arg2[%dma_start3A_20, %dma_start3A_21] : memref<100000x256xf32, #tpu.memory_space<hbm>> -> memref<100000x256xf32, #tpu.memory_space<hbm>>
      tpu.enqueue_indirect_dma source(%dma_start3A_22 : memref<100000x256xf32, #tpu.memory_space<hbm>>) target(%arg7 : memref<128x256xf32, #tpu.memory_space<vmem>>) offsets(%dma_start3A_19 : memref<128xi32, #tpu.memory_space<vmem>>) semaphore(%arg9 : memref<!tpu.dma_semaphore, #tpu.memory_space<semaphore_mem>>)
      %dma_wait3A = arith.constant 0 : i32
      %dma_wait3A_23 = tpu.memref_slice %arg5[%dma_wait3A] : memref<5376xi32, #tpu.memory_space<vmem>> -> memref<128xi32, #tpu.memory_space<vmem>>
      %dma_wait3A_24 = arith.constant 0 : i32
      %dma_wait3A_25 = arith.constant 0 : i32
      %dma_wait3A_26 = tpu.memref_slice %arg2[%dma_wait3A_24, %dma_wait3A_25] : memref<100000x256xf32, #tpu.memory_space<hbm>> -> memref<100000x256xf32, #tpu.memory_space<hbm>>
      tpu.wait_indirect_dma semaphore(%arg8 : memref<!tpu.dma_semaphore, #tpu.memory_space<semaphore_mem>>) src(%dma_wait3A_26 : memref<100000x256xf32, #tpu.memory_space<hbm>>) dst(%arg6 : memref<128x256xf32, #tpu.memory_space<vmem>>)
      %mul3A_27 = arith.constant 128 : i32
      %mul3A_28 = arith.muli %mul3A_14, %mul3A_27 : i32
      %add3A_29 = arith.addi %mul3A_2, %mul3A_28 : i32
      "tpu.region"() ({
        %run_scoped3A = tpu.sem_alloc : memref<!tpu.dma_semaphore, #tpu.memory_space<semaphore_mem>>
        %dma_start3A_44 = arith.constant 0 : i32
        %dma_start3A_45 = tpu.memref_slice %arg4[%add3A_29, %dma_start3A_44] : memref<172032x256xf32, #tpu.memory_space<hbm>> -> memref<128x256xf32, #tpu.memory_space<hbm>>
        %dma_start3A_46 = arith.constant 0 : i32
        %dma_start3A_47 = tpu.memref_slice %arg4[%add3A_29, %dma_start3A_46] : memref<172032x256xf32, #tpu.memory_space<hbm>> -> memref<128x256xf32, #tpu.memory_space<hbm>>
        tpu.enqueue_dma source(%arg6 : memref<128x256xf32, #tpu.memory_space<vmem>>) target(%dma_start3A_47 : memref<128x256xf32, #tpu.memory_space<hbm>>) target_semaphore(%run_scoped3A : memref<!tpu.dma_semaphore, #tpu.memory_space<semaphore_mem>>)
        %dma_wait3A_48 = arith.constant 0 : i32
        %dma_wait3A_49 = tpu.memref_slice %arg4[%add3A_29, %dma_wait3A_48] : memref<172032x256xf32, #tpu.memory_space<hbm>> -> memref<128x256xf32, #tpu.memory_space<hbm>>
        %dma_wait3A_50 = arith.constant 0 : i32
        %dma_wait3A_51 = tpu.memref_slice %arg4[%add3A_29, %dma_wait3A_50] : memref<172032x256xf32, #tpu.memory_space<hbm>> -> memref<128x256xf32, #tpu.memory_space<hbm>>
        tpu.wait_dma2 semaphore(%run_scoped3A : memref<!tpu.dma_semaphore, #tpu.memory_space<semaphore_mem>>) src(%arg6 : memref<128x256xf32, #tpu.memory_space<vmem>>) dst(%dma_wait3A_51 : memref<128x256xf32, #tpu.memory_space<hbm>>)
        tpu.yield
      }) : () -> ()
      %add3A_30 = arith.constant 2 : i32
      %add3A_31 = arith.addi %mul3A_14, %add3A_30 : i32
      %lt3A = arith.constant 42 : i32
      %lt3A_32 = arith.cmpi slt, %add3A_31, %lt3A : i32
      %convert_element_type3A = arith.extui %lt3A_32 : i1 to i32
      %cond3A = arith.constant 0 : i32
      %cond3A_33 = arith.cmpi ne, %convert_element_type3A, %cond3A : i32
      scf.if %cond3A_33 {
        %add3A_44 = arith.constant 2 : i32
        %add3A_45 = arith.addi %mul3A_14, %add3A_44 : i32
        %mul3A_46 = arith.constant 128 : i32
        %mul3A_47 = arith.muli %add3A_45, %mul3A_46 : i32
        %dma_start3A_48 = tpu.memref_slice %arg5[%mul3A_47] : memref<5376xi32, #tpu.memory_space<vmem>> -> memref<128xi32, #tpu.memory_space<vmem>>
        %dma_start3A_49 = arith.constant 0 : i32
        %dma_start3A_50 = arith.constant 0 : i32
        %dma_start3A_51 = tpu.memref_slice %arg2[%dma_start3A_49, %dma_start3A_50] : memref<100000x256xf32, #tpu.memory_space<hbm>> -> memref<100000x256xf32, #tpu.memory_space<hbm>>
        tpu.enqueue_indirect_dma source(%dma_start3A_51 : memref<100000x256xf32, #tpu.memory_space<hbm>>) target(%arg6 : memref<128x256xf32, #tpu.memory_space<vmem>>) offsets(%dma_start3A_48 : memref<128xi32, #tpu.memory_space<vmem>>) semaphore(%arg8 : memref<!tpu.dma_semaphore, #tpu.memory_space<semaphore_mem>>)
      } else {
      }
      %add3A_34 = arith.constant 1 : i32
      %add3A_35 = arith.addi %mul3A_14, %add3A_34 : i32
      %dma_wait3A_36 = arith.constant 0 : i32
      %dma_wait3A_37 = tpu.memref_slice %arg5[%dma_wait3A_36] : memref<5376xi32, #tpu.memory_space<vmem>> -> memref<128xi32, #tpu.memory_space<vmem>>
      %dma_wait3A_38 = arith.constant 0 : i32
      %dma_wait3A_39 = arith.constant 0 : i32
      %dma_wait3A_40 = tpu.memref_slice %arg2[%dma_wait3A_38, %dma_wait3A_39] : memref<100000x256xf32, #tpu.memory_space<hbm>> -> memref<100000x256xf32, #tpu.memory_space<hbm>>
      tpu.wait_indirect_dma semaphore(%arg9 : memref<!tpu.dma_semaphore, #tpu.memory_space<semaphore_mem>>) src(%dma_wait3A_40 : memref<100000x256xf32, #tpu.memory_space<hbm>>) dst(%arg7 : memref<128x256xf32, #tpu.memory_space<vmem>>)
      %mul3A_41 = arith.constant 128 : i32
      %mul3A_42 = arith.muli %add3A_35, %mul3A_41 : i32
      %add3A_43 = arith.addi %mul3A_2, %mul3A_42 : i32
      "tpu.region"() ({
        %run_scoped3A = tpu.sem_alloc : memref<!tpu.dma_semaphore, #tpu.memory_space<semaphore_mem>>
        %dma_start3A_44 = arith.constant 0 : i32
        %dma_start3A_45 = tpu.memref_slice %arg4[%add3A_43, %dma_start3A_44] : memref<172032x256xf32, #tpu.memory_space<hbm>> -> memref<128x256xf32, #tpu.memory_space<hbm>>
        %dma_start3A_46 = arith.constant 0 : i32
        %dma_start3A_47 = tpu.memref_slice %arg4[%add3A_43, %dma_start3A_46] : memref<172032x256xf32, #tpu.memory_space<hbm>> -> memref<128x256xf32, #tpu.memory_space<hbm>>
        tpu.enqueue_dma source(%arg7 : memref<128x256xf32, #tpu.memory_space<vmem>>) target(%dma_start3A_47 : memref<128x256xf32, #tpu.memory_space<hbm>>) target_semaphore(%run_scoped3A : memref<!tpu.dma_semaphore, #tpu.memory_space<semaphore_mem>>)
        %dma_wait3A_48 = arith.constant 0 : i32
        %dma_wait3A_49 = tpu.memref_slice %arg4[%add3A_43, %dma_wait3A_48] : memref<172032x256xf32, #tpu.memory_space<hbm>> -> memref<128x256xf32, #tpu.memory_space<hbm>>
        %dma_wait3A_50 = arith.constant 0 : i32
        %dma_wait3A_51 = tpu.memref_slice %arg4[%add3A_43, %dma_wait3A_50] : memref<172032x256xf32, #tpu.memory_space<hbm>> -> memref<128x256xf32, #tpu.memory_space<hbm>>
        tpu.wait_dma2 semaphore(%run_scoped3A : memref<!tpu.dma_semaphore, #tpu.memory_space<semaphore_mem>>) src(%arg7 : memref<128x256xf32, #tpu.memory_space<vmem>>) dst(%dma_wait3A_51 : memref<128x256xf32, #tpu.memory_space<hbm>>)
        tpu.yield
      }) : () -> ()
    }
    %scan3A_11 = arith.constant 21 : i32
    return
  }
}

module attributes {stable_mosaic.version = 14 : i64} {
  func.func @_tc_body(%arg0: i32, %arg1: memref<128x256xf32, #tpu.memory_space<vmem>>, %arg2: memref<128x256xf32, #tpu.memory_space<vmem>>, %arg3: memref<128x256xf32, #tpu.memory_space<vmem>>, %arg4: memref<128x256xf32, #tpu.memory_space<vmem>>, %arg5: memref<128x256xf32, #tpu.memory_space<vmem>>, %arg6: memref<128x256xf32, #tpu.memory_space<vmem>>, %arg7: memref<128x256xf32, #tpu.memory_space<vmem>>, %arg8: memref<128x256xf32, #tpu.memory_space<vmem>>, %arg9: memref<128x256xf32, #tpu.memory_space<vmem>>, %arg10: memref<128x256xf32, #tpu.memory_space<vmem>>, %arg11: memref<128x256xf32, #tpu.memory_space<vmem>>, %arg12: memref<128x256xf32, #tpu.memory_space<vmem>>, %arg13: memref<128x256xf32, #tpu.memory_space<vmem>>, %arg14: memref<128x256xf32, #tpu.memory_space<vmem>>, %arg15: memref<128x256xf32, #tpu.memory_space<vmem>>, %arg16: memref<128x256xf32, #tpu.memory_space<vmem>>, %arg17: memref<128x256xf32, #tpu.memory_space<vmem>>, %arg18: memref<128x16xf32, #tpu.memory_space<vmem>>, %arg19: memref<256x64xf32, #tpu.memory_space<vmem>>, %arg20: memref<256x64xf32, #tpu.memory_space<vmem>>, %arg21: memref<256x256xf32, #tpu.memory_space<vmem>>, %arg22: memref<1x256xf32, #tpu.memory_space<vmem>>, %arg23: memref<512x256xf32, #tpu.memory_space<vmem>>, %arg24: memref<1x256xf32, #tpu.memory_space<vmem>>, %arg25: memref<1x256xf32, #tpu.memory_space<vmem>>, %arg26: memref<1x256xf32, #tpu.memory_space<vmem>>, %arg27: memref<128x256xf32, #tpu.memory_space<vmem>>) attributes {dimension_semantics = [#tpu.dimension_semantics<arbitrary>], iteration_bounds = array<i64: 79>, scalar_prefetch = 0 : i64, scratch_operands = 0 : i64, tpu.core_type = #tpu.core_type<tc>, window_params = [{transform_indices = @transform_0, window_bounds = array<i64: 128, 256>}, {transform_indices = @transform_1, window_bounds = array<i64: 128, 256>}, {transform_indices = @transform_2, window_bounds = array<i64: 128, 256>}, {transform_indices = @transform_3, window_bounds = array<i64: 128, 256>}, {transform_indices = @transform_4, window_bounds = array<i64: 128, 256>}, {transform_indices = @transform_5, window_bounds = array<i64: 128, 256>}, {transform_indices = @transform_6, window_bounds = array<i64: 128, 256>}, {transform_indices = @transform_7, window_bounds = array<i64: 128, 256>}, {transform_indices = @transform_8, window_bounds = array<i64: 128, 256>}, {transform_indices = @transform_9, window_bounds = array<i64: 128, 256>}, {transform_indices = @transform_10, window_bounds = array<i64: 128, 256>}, {transform_indices = @transform_11, window_bounds = array<i64: 128, 256>}, {transform_indices = @transform_12, window_bounds = array<i64: 128, 256>}, {transform_indices = @transform_13, window_bounds = array<i64: 128, 256>}, {transform_indices = @transform_14, window_bounds = array<i64: 128, 256>}, {transform_indices = @transform_15, window_bounds = array<i64: 128, 256>}, {transform_indices = @transform_16, window_bounds = array<i64: 128, 256>}, {transform_indices = @transform_17, window_bounds = array<i64: 128, 16>}, {pipeline_mode = #tpu.pipeline_mode<synchronous>, transform_indices = @transform_18, window_bounds = array<i64: 256, 64>}, {pipeline_mode = #tpu.pipeline_mode<synchronous>, transform_indices = @transform_19, window_bounds = array<i64: 256, 64>}, {pipeline_mode = #tpu.pipeline_mode<synchronous>, transform_indices = @transform_20, window_bounds = array<i64: 256, 256>}, {pipeline_mode = #tpu.pipeline_mode<synchronous>, transform_indices = @transform_21, window_bounds = array<i64: 1, 256>}, {pipeline_mode = #tpu.pipeline_mode<synchronous>, transform_indices = @transform_22, window_bounds = array<i64: 512, 256>}, {pipeline_mode = #tpu.pipeline_mode<synchronous>, transform_indices = @transform_23, window_bounds = array<i64: 1, 256>}, {pipeline_mode = #tpu.pipeline_mode<synchronous>, transform_indices = @transform_24, window_bounds = array<i64: 1, 256>}, {pipeline_mode = #tpu.pipeline_mode<synchronous>, transform_indices = @transform_25, window_bounds = array<i64: 1, 256>}, {transform_indices = @transform_26, window_bounds = array<i64: 128, 256>}]} {
    %get3A = arith.constant 0 : index
    %get3A_0 = arith.constant 0 : index
    %get3A_1 = vector.load %arg1[%get3A, %get3A_0] : memref<128x256xf32, #tpu.memory_space<vmem>>, vector<128x256xf32>
    %get3A_2 = arith.constant 0 : index
    %get3A_3 = arith.constant 0 : index
    %get3A_4 = vector.load %arg19[%get3A_2, %get3A_3] : memref<256x64xf32, #tpu.memory_space<vmem>>, vector<256x64xf32>
    %dot_general3A = arith.constant dense<0.000000e+00> : vector<128x64xf32>
    %dot_general3A_5 = tpu.matmul %get3A_1, %get3A_4, %dot_general3A {dimension_numbers = #tpu.dot_dimension_numbers<[1], [0], [0], [1], [0, 0, 1, 1], [], []>, transpose_lhs_hint = false} : vector<128x256xf32>, vector<256x64xf32>, vector<128x64xf32> -> vector<128x64xf32>
    %get3A_6 = arith.constant 0 : index
    %get3A_7 = arith.constant 0 : index
    %get3A_8 = vector.load %arg20[%get3A_6, %get3A_7] : memref<256x64xf32, #tpu.memory_space<vmem>>, vector<256x64xf32>
    %get3A_9 = arith.constant 0 : index
    %get3A_10 = arith.constant 0 : index
    %get3A_11 = vector.load %arg2[%get3A_9, %get3A_10] : memref<128x256xf32, #tpu.memory_space<vmem>>, vector<128x256xf32>
    %get3A_12 = arith.constant 0 : index
    %get3A_13 = arith.constant 0 : index
    %get3A_14 = vector.load %arg3[%get3A_12, %get3A_13] : memref<128x256xf32, #tpu.memory_space<vmem>>, vector<128x256xf32>
    %get3A_15 = arith.constant 0 : index
    %get3A_16 = arith.constant 0 : index
    %get3A_17 = vector.load %arg4[%get3A_15, %get3A_16] : memref<128x256xf32, #tpu.memory_space<vmem>>, vector<128x256xf32>
    %get3A_18 = arith.constant 0 : index
    %get3A_19 = arith.constant 0 : index
    %get3A_20 = vector.load %arg5[%get3A_18, %get3A_19] : memref<128x256xf32, #tpu.memory_space<vmem>>, vector<128x256xf32>
    %get3A_21 = arith.constant 0 : index
    %get3A_22 = arith.constant 0 : index
    %get3A_23 = vector.load %arg6[%get3A_21, %get3A_22] : memref<128x256xf32, #tpu.memory_space<vmem>>, vector<128x256xf32>
    %get3A_24 = arith.constant 0 : index
    %get3A_25 = arith.constant 0 : index
    %get3A_26 = vector.load %arg7[%get3A_24, %get3A_25] : memref<128x256xf32, #tpu.memory_space<vmem>>, vector<128x256xf32>
    %get3A_27 = arith.constant 0 : index
    %get3A_28 = arith.constant 0 : index
    %get3A_29 = vector.load %arg8[%get3A_27, %get3A_28] : memref<128x256xf32, #tpu.memory_space<vmem>>, vector<128x256xf32>
    %get3A_30 = arith.constant 0 : index
    %get3A_31 = arith.constant 0 : index
    %get3A_32 = vector.load %arg9[%get3A_30, %get3A_31] : memref<128x256xf32, #tpu.memory_space<vmem>>, vector<128x256xf32>
    %get3A_33 = arith.constant 0 : index
    %get3A_34 = arith.constant 0 : index
    %get3A_35 = vector.load %arg10[%get3A_33, %get3A_34] : memref<128x256xf32, #tpu.memory_space<vmem>>, vector<128x256xf32>
    %get3A_36 = arith.constant 0 : index
    %get3A_37 = arith.constant 0 : index
    %get3A_38 = vector.load %arg11[%get3A_36, %get3A_37] : memref<128x256xf32, #tpu.memory_space<vmem>>, vector<128x256xf32>
    %get3A_39 = arith.constant 0 : index
    %get3A_40 = arith.constant 0 : index
    %get3A_41 = vector.load %arg12[%get3A_39, %get3A_40] : memref<128x256xf32, #tpu.memory_space<vmem>>, vector<128x256xf32>
    %get3A_42 = arith.constant 0 : index
    %get3A_43 = arith.constant 0 : index
    %get3A_44 = vector.load %arg13[%get3A_42, %get3A_43] : memref<128x256xf32, #tpu.memory_space<vmem>>, vector<128x256xf32>
    %get3A_45 = arith.constant 0 : index
    %get3A_46 = arith.constant 0 : index
    %get3A_47 = vector.load %arg14[%get3A_45, %get3A_46] : memref<128x256xf32, #tpu.memory_space<vmem>>, vector<128x256xf32>
    %get3A_48 = arith.constant 0 : index
    %get3A_49 = arith.constant 0 : index
    %get3A_50 = vector.load %arg15[%get3A_48, %get3A_49] : memref<128x256xf32, #tpu.memory_space<vmem>>, vector<128x256xf32>
    %get3A_51 = arith.constant 0 : index
    %get3A_52 = arith.constant 0 : index
    %get3A_53 = vector.load %arg16[%get3A_51, %get3A_52] : memref<128x256xf32, #tpu.memory_space<vmem>>, vector<128x256xf32>
    %get3A_54 = arith.constant 0 : index
    %get3A_55 = arith.constant 0 : index
    %get3A_56 = vector.load %arg17[%get3A_54, %get3A_55] : memref<128x256xf32, #tpu.memory_space<vmem>>, vector<128x256xf32>
    %dot_general3A_57 = arith.constant dense<0.000000e+00> : vector<128x64xf32>
    %dot_general3A_58 = tpu.matmul %get3A_11, %get3A_8, %dot_general3A_57 {dimension_numbers = #tpu.dot_dimension_numbers<[1], [0], [0], [1], [0, 0, 1, 1], [], []>, transpose_lhs_hint = false} : vector<128x256xf32>, vector<256x64xf32>, vector<128x64xf32> -> vector<128x64xf32>
    %mul3A = arith.mulf %dot_general3A_5, %dot_general3A_58 : vector<128x64xf32>
    %reduce_sum3A = arith.constant dense<0.000000e+00> : vector<128xf32>
    %reduce_sum3A_59 = vector.multi_reduction <add>, %mul3A, %reduce_sum3A [1] : vector<128x64xf32> to vector<128xf32>
    %broadcast_in_dim3A = vector.shape_cast %reduce_sum3A_59 : vector<128xf32> to vector<128x1xf32>
    %dot_general3A_60 = arith.constant dense<0.000000e+00> : vector<128x64xf32>
    %dot_general3A_61 = tpu.matmul %get3A_14, %get3A_8, %dot_general3A_60 {dimension_numbers = #tpu.dot_dimension_numbers<[1], [0], [0], [1], [0, 0, 1, 1], [], []>, transpose_lhs_hint = false} : vector<128x256xf32>, vector<256x64xf32>, vector<128x64xf32> -> vector<128x64xf32>
    %mul3A_62 = arith.mulf %dot_general3A_5, %dot_general3A_61 : vector<128x64xf32>
    %reduce_sum3A_63 = arith.constant dense<0.000000e+00> : vector<128xf32>
    %reduce_sum3A_64 = vector.multi_reduction <add>, %mul3A_62, %reduce_sum3A_63 [1] : vector<128x64xf32> to vector<128xf32>
    %broadcast_in_dim3A_65 = vector.shape_cast %reduce_sum3A_64 : vector<128xf32> to vector<128x1xf32>
    %dot_general3A_66 = arith.constant dense<0.000000e+00> : vector<128x64xf32>
    %dot_general3A_67 = tpu.matmul %get3A_17, %get3A_8, %dot_general3A_66 {dimension_numbers = #tpu.dot_dimension_numbers<[1], [0], [0], [1], [0, 0, 1, 1], [], []>, transpose_lhs_hint = false} : vector<128x256xf32>, vector<256x64xf32>, vector<128x64xf32> -> vector<128x64xf32>
    %mul3A_68 = arith.mulf %dot_general3A_5, %dot_general3A_67 : vector<128x64xf32>
    %reduce_sum3A_69 = arith.constant dense<0.000000e+00> : vector<128xf32>
    %reduce_sum3A_70 = vector.multi_reduction <add>, %mul3A_68, %reduce_sum3A_69 [1] : vector<128x64xf32> to vector<128xf32>
    %broadcast_in_dim3A_71 = vector.shape_cast %reduce_sum3A_70 : vector<128xf32> to vector<128x1xf32>
    %dot_general3A_72 = arith.constant dense<0.000000e+00> : vector<128x64xf32>
    %dot_general3A_73 = tpu.matmul %get3A_20, %get3A_8, %dot_general3A_72 {dimension_numbers = #tpu.dot_dimension_numbers<[1], [0], [0], [1], [0, 0, 1, 1], [], []>, transpose_lhs_hint = false} : vector<128x256xf32>, vector<256x64xf32>, vector<128x64xf32> -> vector<128x64xf32>
    %mul3A_74 = arith.mulf %dot_general3A_5, %dot_general3A_73 : vector<128x64xf32>
    %reduce_sum3A_75 = arith.constant dense<0.000000e+00> : vector<128xf32>
    %reduce_sum3A_76 = vector.multi_reduction <add>, %mul3A_74, %reduce_sum3A_75 [1] : vector<128x64xf32> to vector<128xf32>
    %broadcast_in_dim3A_77 = vector.shape_cast %reduce_sum3A_76 : vector<128xf32> to vector<128x1xf32>
    %dot_general3A_78 = arith.constant dense<0.000000e+00> : vector<128x64xf32>
    %dot_general3A_79 = tpu.matmul %get3A_23, %get3A_8, %dot_general3A_78 {dimension_numbers = #tpu.dot_dimension_numbers<[1], [0], [0], [1], [0, 0, 1, 1], [], []>, transpose_lhs_hint = false} : vector<128x256xf32>, vector<256x64xf32>, vector<128x64xf32> -> vector<128x64xf32>
    %mul3A_80 = arith.mulf %dot_general3A_5, %dot_general3A_79 : vector<128x64xf32>
    %reduce_sum3A_81 = arith.constant dense<0.000000e+00> : vector<128xf32>
    %reduce_sum3A_82 = vector.multi_reduction <add>, %mul3A_80, %reduce_sum3A_81 [1] : vector<128x64xf32> to vector<128xf32>
    %broadcast_in_dim3A_83 = vector.shape_cast %reduce_sum3A_82 : vector<128xf32> to vector<128x1xf32>
    %dot_general3A_84 = arith.constant dense<0.000000e+00> : vector<128x64xf32>
    %dot_general3A_85 = tpu.matmul %get3A_26, %get3A_8, %dot_general3A_84 {dimension_numbers = #tpu.dot_dimension_numbers<[1], [0], [0], [1], [0, 0, 1, 1], [], []>, transpose_lhs_hint = false} : vector<128x256xf32>, vector<256x64xf32>, vector<128x64xf32> -> vector<128x64xf32>
    %mul3A_86 = arith.mulf %dot_general3A_5, %dot_general3A_85 : vector<128x64xf32>
    %reduce_sum3A_87 = arith.constant dense<0.000000e+00> : vector<128xf32>
    %reduce_sum3A_88 = vector.multi_reduction <add>, %mul3A_86, %reduce_sum3A_87 [1] : vector<128x64xf32> to vector<128xf32>
    %broadcast_in_dim3A_89 = vector.shape_cast %reduce_sum3A_88 : vector<128xf32> to vector<128x1xf32>
    %dot_general3A_90 = arith.constant dense<0.000000e+00> : vector<128x64xf32>
    %dot_general3A_91 = tpu.matmul %get3A_29, %get3A_8, %dot_general3A_90 {dimension_numbers = #tpu.dot_dimension_numbers<[1], [0], [0], [1], [0, 0, 1, 1], [], []>, transpose_lhs_hint = false} : vector<128x256xf32>, vector<256x64xf32>, vector<128x64xf32> -> vector<128x64xf32>
    %mul3A_92 = arith.mulf %dot_general3A_5, %dot_general3A_91 : vector<128x64xf32>
    %reduce_sum3A_93 = arith.constant dense<0.000000e+00> : vector<128xf32>
    %reduce_sum3A_94 = vector.multi_reduction <add>, %mul3A_92, %reduce_sum3A_93 [1] : vector<128x64xf32> to vector<128xf32>
    %broadcast_in_dim3A_95 = vector.shape_cast %reduce_sum3A_94 : vector<128xf32> to vector<128x1xf32>
    %dot_general3A_96 = arith.constant dense<0.000000e+00> : vector<128x64xf32>
    %dot_general3A_97 = tpu.matmul %get3A_32, %get3A_8, %dot_general3A_96 {dimension_numbers = #tpu.dot_dimension_numbers<[1], [0], [0], [1], [0, 0, 1, 1], [], []>, transpose_lhs_hint = false} : vector<128x256xf32>, vector<256x64xf32>, vector<128x64xf32> -> vector<128x64xf32>
    %mul3A_98 = arith.mulf %dot_general3A_5, %dot_general3A_97 : vector<128x64xf32>
    %reduce_sum3A_99 = arith.constant dense<0.000000e+00> : vector<128xf32>
    %reduce_sum3A_100 = vector.multi_reduction <add>, %mul3A_98, %reduce_sum3A_99 [1] : vector<128x64xf32> to vector<128xf32>
    %broadcast_in_dim3A_101 = vector.shape_cast %reduce_sum3A_100 : vector<128xf32> to vector<128x1xf32>
    %dot_general3A_102 = arith.constant dense<0.000000e+00> : vector<128x64xf32>
    %dot_general3A_103 = tpu.matmul %get3A_35, %get3A_8, %dot_general3A_102 {dimension_numbers = #tpu.dot_dimension_numbers<[1], [0], [0], [1], [0, 0, 1, 1], [], []>, transpose_lhs_hint = false} : vector<128x256xf32>, vector<256x64xf32>, vector<128x64xf32> -> vector<128x64xf32>
    %mul3A_104 = arith.mulf %dot_general3A_5, %dot_general3A_103 : vector<128x64xf32>
    %reduce_sum3A_105 = arith.constant dense<0.000000e+00> : vector<128xf32>
    %reduce_sum3A_106 = vector.multi_reduction <add>, %mul3A_104, %reduce_sum3A_105 [1] : vector<128x64xf32> to vector<128xf32>
    %broadcast_in_dim3A_107 = vector.shape_cast %reduce_sum3A_106 : vector<128xf32> to vector<128x1xf32>
    %dot_general3A_108 = arith.constant dense<0.000000e+00> : vector<128x64xf32>
    %dot_general3A_109 = tpu.matmul %get3A_38, %get3A_8, %dot_general3A_108 {dimension_numbers = #tpu.dot_dimension_numbers<[1], [0], [0], [1], [0, 0, 1, 1], [], []>, transpose_lhs_hint = false} : vector<128x256xf32>, vector<256x64xf32>, vector<128x64xf32> -> vector<128x64xf32>
    %mul3A_110 = arith.mulf %dot_general3A_5, %dot_general3A_109 : vector<128x64xf32>
    %reduce_sum3A_111 = arith.constant dense<0.000000e+00> : vector<128xf32>
    %reduce_sum3A_112 = vector.multi_reduction <add>, %mul3A_110, %reduce_sum3A_111 [1] : vector<128x64xf32> to vector<128xf32>
    %broadcast_in_dim3A_113 = vector.shape_cast %reduce_sum3A_112 : vector<128xf32> to vector<128x1xf32>
    %dot_general3A_114 = arith.constant dense<0.000000e+00> : vector<128x64xf32>
    %dot_general3A_115 = tpu.matmul %get3A_41, %get3A_8, %dot_general3A_114 {dimension_numbers = #tpu.dot_dimension_numbers<[1], [0], [0], [1], [0, 0, 1, 1], [], []>, transpose_lhs_hint = false} : vector<128x256xf32>, vector<256x64xf32>, vector<128x64xf32> -> vector<128x64xf32>
    %mul3A_116 = arith.mulf %dot_general3A_5, %dot_general3A_115 : vector<128x64xf32>
    %reduce_sum3A_117 = arith.constant dense<0.000000e+00> : vector<128xf32>
    %reduce_sum3A_118 = vector.multi_reduction <add>, %mul3A_116, %reduce_sum3A_117 [1] : vector<128x64xf32> to vector<128xf32>
    %broadcast_in_dim3A_119 = vector.shape_cast %reduce_sum3A_118 : vector<128xf32> to vector<128x1xf32>
    %dot_general3A_120 = arith.constant dense<0.000000e+00> : vector<128x64xf32>
    %dot_general3A_121 = tpu.matmul %get3A_44, %get3A_8, %dot_general3A_120 {dimension_numbers = #tpu.dot_dimension_numbers<[1], [0], [0], [1], [0, 0, 1, 1], [], []>, transpose_lhs_hint = false} : vector<128x256xf32>, vector<256x64xf32>, vector<128x64xf32> -> vector<128x64xf32>
    %mul3A_122 = arith.mulf %dot_general3A_5, %dot_general3A_121 : vector<128x64xf32>
    %reduce_sum3A_123 = arith.constant dense<0.000000e+00> : vector<128xf32>
    %reduce_sum3A_124 = vector.multi_reduction <add>, %mul3A_122, %reduce_sum3A_123 [1] : vector<128x64xf32> to vector<128xf32>
    %broadcast_in_dim3A_125 = vector.shape_cast %reduce_sum3A_124 : vector<128xf32> to vector<128x1xf32>
    %dot_general3A_126 = arith.constant dense<0.000000e+00> : vector<128x64xf32>
    %dot_general3A_127 = tpu.matmul %get3A_47, %get3A_8, %dot_general3A_126 {dimension_numbers = #tpu.dot_dimension_numbers<[1], [0], [0], [1], [0, 0, 1, 1], [], []>, transpose_lhs_hint = false} : vector<128x256xf32>, vector<256x64xf32>, vector<128x64xf32> -> vector<128x64xf32>
    %mul3A_128 = arith.mulf %dot_general3A_5, %dot_general3A_127 : vector<128x64xf32>
    %reduce_sum3A_129 = arith.constant dense<0.000000e+00> : vector<128xf32>
    %reduce_sum3A_130 = vector.multi_reduction <add>, %mul3A_128, %reduce_sum3A_129 [1] : vector<128x64xf32> to vector<128xf32>
    %broadcast_in_dim3A_131 = vector.shape_cast %reduce_sum3A_130 : vector<128xf32> to vector<128x1xf32>
    %dot_general3A_132 = arith.constant dense<0.000000e+00> : vector<128x64xf32>
    %dot_general3A_133 = tpu.matmul %get3A_50, %get3A_8, %dot_general3A_132 {dimension_numbers = #tpu.dot_dimension_numbers<[1], [0], [0], [1], [0, 0, 1, 1], [], []>, transpose_lhs_hint = false} : vector<128x256xf32>, vector<256x64xf32>, vector<128x64xf32> -> vector<128x64xf32>
    %mul3A_134 = arith.mulf %dot_general3A_5, %dot_general3A_133 : vector<128x64xf32>
    %reduce_sum3A_135 = arith.constant dense<0.000000e+00> : vector<128xf32>
    %reduce_sum3A_136 = vector.multi_reduction <add>, %mul3A_134, %reduce_sum3A_135 [1] : vector<128x64xf32> to vector<128xf32>
    %broadcast_in_dim3A_137 = vector.shape_cast %reduce_sum3A_136 : vector<128xf32> to vector<128x1xf32>
    %dot_general3A_138 = arith.constant dense<0.000000e+00> : vector<128x64xf32>
    %dot_general3A_139 = tpu.matmul %get3A_53, %get3A_8, %dot_general3A_138 {dimension_numbers = #tpu.dot_dimension_numbers<[1], [0], [0], [1], [0, 0, 1, 1], [], []>, transpose_lhs_hint = false} : vector<128x256xf32>, vector<256x64xf32>, vector<128x64xf32> -> vector<128x64xf32>
    %mul3A_140 = arith.mulf %dot_general3A_5, %dot_general3A_139 : vector<128x64xf32>
    %reduce_sum3A_141 = arith.constant dense<0.000000e+00> : vector<128xf32>
    %reduce_sum3A_142 = vector.multi_reduction <add>, %mul3A_140, %reduce_sum3A_141 [1] : vector<128x64xf32> to vector<128xf32>
    %broadcast_in_dim3A_143 = vector.shape_cast %reduce_sum3A_142 : vector<128xf32> to vector<128x1xf32>
    %dot_general3A_144 = arith.constant dense<0.000000e+00> : vector<128x64xf32>
    %dot_general3A_145 = tpu.matmul %get3A_56, %get3A_8, %dot_general3A_144 {dimension_numbers = #tpu.dot_dimension_numbers<[1], [0], [0], [1], [0, 0, 1, 1], [], []>, transpose_lhs_hint = false} : vector<128x256xf32>, vector<256x64xf32>, vector<128x64xf32> -> vector<128x64xf32>
    %mul3A_146 = arith.mulf %dot_general3A_5, %dot_general3A_145 : vector<128x64xf32>
    %reduce_sum3A_147 = arith.constant dense<0.000000e+00> : vector<128xf32>
    %reduce_sum3A_148 = vector.multi_reduction <add>, %mul3A_146, %reduce_sum3A_147 [1] : vector<128x64xf32> to vector<128xf32>
    %broadcast_in_dim3A_149 = vector.shape_cast %reduce_sum3A_148 : vector<128xf32> to vector<128x1xf32>
    %concatenate3A = tpu.concatenate %broadcast_in_dim3A, %broadcast_in_dim3A_65, %broadcast_in_dim3A_71, %broadcast_in_dim3A_77, %broadcast_in_dim3A_83, %broadcast_in_dim3A_89, %broadcast_in_dim3A_95, %broadcast_in_dim3A_101, %broadcast_in_dim3A_107, %broadcast_in_dim3A_113, %broadcast_in_dim3A_119, %broadcast_in_dim3A_125, %broadcast_in_dim3A_131, %broadcast_in_dim3A_137, %broadcast_in_dim3A_143, %broadcast_in_dim3A_149 in 1 : vector<128x1xf32>, vector<128x1xf32>, vector<128x1xf32>, vector<128x1xf32>, vector<128x1xf32>, vector<128x1xf32>, vector<128x1xf32>, vector<128x1xf32>, vector<128x1xf32>, vector<128x1xf32>, vector<128x1xf32>, vector<128x1xf32>, vector<128x1xf32>, vector<128x1xf32>, vector<128x1xf32>, vector<128x1xf32> -> vector<128x16xf32>
    %mul3A_150 = arith.constant 1.250000e-01 : f32
    %mul3A_151 = vector.broadcast %mul3A_150 : f32 to vector<128x16xf32>
    %mul3A_152 = arith.mulf %concatenate3A, %mul3A_151 : vector<128x16xf32>
    %get3A_153 = arith.constant 0 : index
    %get3A_154 = arith.constant 0 : index
    %get3A_155 = vector.load %arg18[%get3A_153, %get3A_154] : memref<128x16xf32, #tpu.memory_space<vmem>>, vector<128x16xf32>
    %max3A = arith.constant 9.99999997E-7 : f32
    %max3A_156 = vector.broadcast %max3A : f32 to vector<128x16xf32>
    %max3A_157 = arith.maximumf %get3A_155, %max3A_156 : vector<128x16xf32>
    %log3A = math.log %max3A_157 : vector<128x16xf32>
    %add3A = arith.addf %mul3A_152, %log3A : vector<128x16xf32>
    %reduce_max3A = arith.constant dense<0xFF800000> : vector<128xf32>
    %reduce_max3A_158 = vector.multi_reduction <maximumf>, %add3A, %reduce_max3A [1] : vector<128x16xf32> to vector<128xf32>
    %broadcast_in_dim3A_159 = vector.shape_cast %reduce_max3A_158 : vector<128xf32> to vector<128x1xf32>
    %sub3A = vector.broadcast %broadcast_in_dim3A_159 : vector<128x1xf32> to vector<128x16xf32>
    %sub3A_160 = arith.subf %add3A, %sub3A : vector<128x16xf32>
    %exp3A = math.exp %sub3A_160 : vector<128x16xf32>
    %reduce_sum3A_161 = arith.constant dense<0.000000e+00> : vector<128xf32>
    %reduce_sum3A_162 = vector.multi_reduction <add>, %exp3A, %reduce_sum3A_161 [1] : vector<128x16xf32> to vector<128xf32>
    %broadcast_in_dim3A_163 = vector.shape_cast %reduce_sum3A_162 : vector<128xf32> to vector<128x1xf32>
    %div3A = vector.broadcast %broadcast_in_dim3A_163 : vector<128x1xf32> to vector<128x16xf32>
    %div3A_164 = arith.divf %exp3A, %div3A : vector<128x16xf32>
    %slice3A = vector.extract_strided_slice %div3A_164 {offsets = [0, 0], sizes = [128, 1], strides = [1, 1]} : vector<128x16xf32> to vector<128x1xf32>
    %mul3A_165 = vector.broadcast %slice3A : vector<128x1xf32> to vector<128x256xf32>
    %mul3A_166 = arith.mulf %mul3A_165, %get3A_11 : vector<128x256xf32>
    %slice3A_167 = vector.extract_strided_slice %div3A_164 {offsets = [0, 1], sizes = [128, 1], strides = [1, 1]} : vector<128x16xf32> to vector<128x1xf32>
    %mul3A_168 = vector.broadcast %slice3A_167 : vector<128x1xf32> to vector<128x256xf32>
    %mul3A_169 = arith.mulf %mul3A_168, %get3A_14 : vector<128x256xf32>
    %add3A_170 = arith.addf %mul3A_166, %mul3A_169 : vector<128x256xf32>
    %slice3A_171 = vector.extract_strided_slice %div3A_164 {offsets = [0, 2], sizes = [128, 1], strides = [1, 1]} : vector<128x16xf32> to vector<128x1xf32>
    %mul3A_172 = vector.broadcast %slice3A_171 : vector<128x1xf32> to vector<128x256xf32>
    %mul3A_173 = arith.mulf %mul3A_172, %get3A_17 : vector<128x256xf32>
    %add3A_174 = arith.addf %add3A_170, %mul3A_173 : vector<128x256xf32>
    %slice3A_175 = vector.extract_strided_slice %div3A_164 {offsets = [0, 3], sizes = [128, 1], strides = [1, 1]} : vector<128x16xf32> to vector<128x1xf32>
    %mul3A_176 = vector.broadcast %slice3A_175 : vector<128x1xf32> to vector<128x256xf32>
    %mul3A_177 = arith.mulf %mul3A_176, %get3A_20 : vector<128x256xf32>
    %add3A_178 = arith.addf %add3A_174, %mul3A_177 : vector<128x256xf32>
    %slice3A_179 = vector.extract_strided_slice %div3A_164 {offsets = [0, 4], sizes = [128, 1], strides = [1, 1]} : vector<128x16xf32> to vector<128x1xf32>
    %mul3A_180 = vector.broadcast %slice3A_179 : vector<128x1xf32> to vector<128x256xf32>
    %mul3A_181 = arith.mulf %mul3A_180, %get3A_23 : vector<128x256xf32>
    %add3A_182 = arith.addf %add3A_178, %mul3A_181 : vector<128x256xf32>
    %slice3A_183 = vector.extract_strided_slice %div3A_164 {offsets = [0, 5], sizes = [128, 1], strides = [1, 1]} : vector<128x16xf32> to vector<128x1xf32>
    %mul3A_184 = vector.broadcast %slice3A_183 : vector<128x1xf32> to vector<128x256xf32>
    %mul3A_185 = arith.mulf %mul3A_184, %get3A_26 : vector<128x256xf32>
    %add3A_186 = arith.addf %add3A_182, %mul3A_185 : vector<128x256xf32>
    %slice3A_187 = vector.extract_strided_slice %div3A_164 {offsets = [0, 6], sizes = [128, 1], strides = [1, 1]} : vector<128x16xf32> to vector<128x1xf32>
    %mul3A_188 = vector.broadcast %slice3A_187 : vector<128x1xf32> to vector<128x256xf32>
    %mul3A_189 = arith.mulf %mul3A_188, %get3A_29 : vector<128x256xf32>
    %add3A_190 = arith.addf %add3A_186, %mul3A_189 : vector<128x256xf32>
    %slice3A_191 = vector.extract_strided_slice %div3A_164 {offsets = [0, 7], sizes = [128, 1], strides = [1, 1]} : vector<128x16xf32> to vector<128x1xf32>
    %mul3A_192 = vector.broadcast %slice3A_191 : vector<128x1xf32> to vector<128x256xf32>
    %mul3A_193 = arith.mulf %mul3A_192, %get3A_32 : vector<128x256xf32>
    %add3A_194 = arith.addf %add3A_190, %mul3A_193 : vector<128x256xf32>
    %slice3A_195 = vector.extract_strided_slice %div3A_164 {offsets = [0, 8], sizes = [128, 1], strides = [1, 1]} : vector<128x16xf32> to vector<128x1xf32>
    %mul3A_196 = vector.broadcast %slice3A_195 : vector<128x1xf32> to vector<128x256xf32>
    %mul3A_197 = arith.mulf %mul3A_196, %get3A_35 : vector<128x256xf32>
    %add3A_198 = arith.addf %add3A_194, %mul3A_197 : vector<128x256xf32>
    %slice3A_199 = vector.extract_strided_slice %div3A_164 {offsets = [0, 9], sizes = [128, 1], strides = [1, 1]} : vector<128x16xf32> to vector<128x1xf32>
    %mul3A_200 = vector.broadcast %slice3A_199 : vector<128x1xf32> to vector<128x256xf32>
    %mul3A_201 = arith.mulf %mul3A_200, %get3A_38 : vector<128x256xf32>
    %add3A_202 = arith.addf %add3A_198, %mul3A_201 : vector<128x256xf32>
    %slice3A_203 = vector.extract_strided_slice %div3A_164 {offsets = [0, 10], sizes = [128, 1], strides = [1, 1]} : vector<128x16xf32> to vector<128x1xf32>
    %mul3A_204 = vector.broadcast %slice3A_203 : vector<128x1xf32> to vector<128x256xf32>
    %mul3A_205 = arith.mulf %mul3A_204, %get3A_41 : vector<128x256xf32>
    %add3A_206 = arith.addf %add3A_202, %mul3A_205 : vector<128x256xf32>
    %slice3A_207 = vector.extract_strided_slice %div3A_164 {offsets = [0, 11], sizes = [128, 1], strides = [1, 1]} : vector<128x16xf32> to vector<128x1xf32>
    %mul3A_208 = vector.broadcast %slice3A_207 : vector<128x1xf32> to vector<128x256xf32>
    %mul3A_209 = arith.mulf %mul3A_208, %get3A_44 : vector<128x256xf32>
    %add3A_210 = arith.addf %add3A_206, %mul3A_209 : vector<128x256xf32>
    %slice3A_211 = vector.extract_strided_slice %div3A_164 {offsets = [0, 12], sizes = [128, 1], strides = [1, 1]} : vector<128x16xf32> to vector<128x1xf32>
    %mul3A_212 = vector.broadcast %slice3A_211 : vector<128x1xf32> to vector<128x256xf32>
    %mul3A_213 = arith.mulf %mul3A_212, %get3A_47 : vector<128x256xf32>
    %add3A_214 = arith.addf %add3A_210, %mul3A_213 : vector<128x256xf32>
    %slice3A_215 = vector.extract_strided_slice %div3A_164 {offsets = [0, 13], sizes = [128, 1], strides = [1, 1]} : vector<128x16xf32> to vector<128x1xf32>
    %mul3A_216 = vector.broadcast %slice3A_215 : vector<128x1xf32> to vector<128x256xf32>
    %mul3A_217 = arith.mulf %mul3A_216, %get3A_50 : vector<128x256xf32>
    %add3A_218 = arith.addf %add3A_214, %mul3A_217 : vector<128x256xf32>
    %slice3A_219 = vector.extract_strided_slice %div3A_164 {offsets = [0, 14], sizes = [128, 1], strides = [1, 1]} : vector<128x16xf32> to vector<128x1xf32>
    %mul3A_220 = vector.broadcast %slice3A_219 : vector<128x1xf32> to vector<128x256xf32>
    %mul3A_221 = arith.mulf %mul3A_220, %get3A_53 : vector<128x256xf32>
    %add3A_222 = arith.addf %add3A_218, %mul3A_221 : vector<128x256xf32>
    %slice3A_223 = vector.extract_strided_slice %div3A_164 {offsets = [0, 15], sizes = [128, 1], strides = [1, 1]} : vector<128x16xf32> to vector<128x1xf32>
    %mul3A_224 = vector.broadcast %slice3A_223 : vector<128x1xf32> to vector<128x256xf32>
    %mul3A_225 = arith.mulf %mul3A_224, %get3A_56 : vector<128x256xf32>
    %add3A_226 = arith.addf %add3A_222, %mul3A_225 : vector<128x256xf32>
    %get3A_227 = arith.constant 0 : index
    %get3A_228 = arith.constant 0 : index
    %get3A_229 = vector.load %arg21[%get3A_227, %get3A_228] : memref<256x256xf32, #tpu.memory_space<vmem>>, vector<256x256xf32>
    %dot_general3A_230 = arith.constant dense<0.000000e+00> : vector<128x256xf32>
    %dot_general3A_231 = tpu.matmul %get3A_1, %get3A_229, %dot_general3A_230 {dimension_numbers = #tpu.dot_dimension_numbers<[1], [0], [0], [1], [0, 0, 1, 1], [], []>, transpose_lhs_hint = false} : vector<128x256xf32>, vector<256x256xf32>, vector<128x256xf32> -> vector<128x256xf32>
    %get3A_232 = arith.constant 0 : index
    %get3A_233 = arith.constant 0 : index
    %get3A_234 = vector.load %arg22[%get3A_232, %get3A_233] : memref<1x256xf32, #tpu.memory_space<vmem>>, vector<1x256xf32>
    %add3A_235 = vector.broadcast %get3A_234 : vector<1x256xf32> to vector<128x256xf32>
    %add3A_236 = arith.addf %dot_general3A_231, %add3A_235 : vector<128x256xf32>
    %logistic3A = arith.negf %add3A_236 : vector<128x256xf32>
    %logistic3A_237 = math.exp %logistic3A : vector<128x256xf32>
    %logistic3A_238 = arith.constant 1.000000e+00 : f32
    %logistic3A_239 = vector.broadcast %logistic3A_238 : f32 to vector<128x256xf32>
    %logistic3A_240 = arith.addf %logistic3A_239, %logistic3A_237 : vector<128x256xf32>
    %logistic3A_241 = arith.divf %logistic3A_239, %logistic3A_240 : vector<128x256xf32>
    %mul3A_242 = arith.mulf %logistic3A_241, %add3A_226 : vector<128x256xf32>
    %get3A_243 = arith.constant 0 : index
    %get3A_244 = arith.constant 0 : index
    %get3A_245 = vector.load %arg23[%get3A_243, %get3A_244] : memref<512x256xf32, #tpu.memory_space<vmem>>, vector<512x256xf32>
    %slice3A_246 = vector.extract_strided_slice %get3A_245 {offsets = [0, 0], sizes = [256, 256], strides = [1, 1]} : vector<512x256xf32> to vector<256x256xf32>
    %dot_general3A_247 = arith.constant dense<0.000000e+00> : vector<128x256xf32>
    %dot_general3A_248 = tpu.matmul %get3A_1, %slice3A_246, %dot_general3A_247 {dimension_numbers = #tpu.dot_dimension_numbers<[1], [0], [0], [1], [0, 0, 1, 1], [], []>, transpose_lhs_hint = false} : vector<128x256xf32>, vector<256x256xf32>, vector<128x256xf32> -> vector<128x256xf32>
    %slice3A_249 = vector.extract_strided_slice %get3A_245 {offsets = [256, 0], sizes = [256, 256], strides = [1, 1]} : vector<512x256xf32> to vector<256x256xf32>
    %dot_general3A_250 = arith.constant dense<0.000000e+00> : vector<128x256xf32>
    %dot_general3A_251 = tpu.matmul %mul3A_242, %slice3A_249, %dot_general3A_250 {dimension_numbers = #tpu.dot_dimension_numbers<[1], [0], [0], [1], [0, 0, 1, 1], [], []>, transpose_lhs_hint = false} : vector<128x256xf32>, vector<256x256xf32>, vector<128x256xf32> -> vector<128x256xf32>
    %add3A_252 = arith.addf %dot_general3A_248, %dot_general3A_251 : vector<128x256xf32>
    %get3A_253 = arith.constant 0 : index
    %get3A_254 = arith.constant 0 : index
    %get3A_255 = vector.load %arg24[%get3A_253, %get3A_254] : memref<1x256xf32, #tpu.memory_space<vmem>>, vector<1x256xf32>
    %add3A_256 = vector.broadcast %get3A_255 : vector<1x256xf32> to vector<128x256xf32>
    %add3A_257 = arith.addf %add3A_252, %add3A_256 : vector<128x256xf32>
    %add3A_258 = arith.addf %add3A_257, %get3A_1 : vector<128x256xf32>
    %reduce_sum3A_259 = arith.constant dense<0.000000e+00> : vector<128xf32>
    %reduce_sum3A_260 = vector.multi_reduction <add>, %add3A_258, %reduce_sum3A_259 [1] : vector<128x256xf32> to vector<128xf32>
    %broadcast_in_dim3A_261 = vector.shape_cast %reduce_sum3A_260 : vector<128xf32> to vector<128x1xf32>
    %div3A_262 = arith.constant 2.560000e+02 : f32
    %div3A_263 = vector.broadcast %div3A_262 : f32 to vector<128x1xf32>
    %div3A_264 = arith.divf %broadcast_in_dim3A_261, %div3A_263 : vector<128x1xf32>
    %sub3A_265 = vector.broadcast %div3A_264 : vector<128x1xf32> to vector<128x256xf32>
    %sub3A_266 = arith.subf %add3A_258, %sub3A_265 : vector<128x256xf32>
    %mul3A_267 = arith.mulf %sub3A_266, %sub3A_266 : vector<128x256xf32>
    %reduce_sum3A_268 = arith.constant dense<0.000000e+00> : vector<128xf32>
    %reduce_sum3A_269 = vector.multi_reduction <add>, %mul3A_267, %reduce_sum3A_268 [1] : vector<128x256xf32> to vector<128xf32>
    %broadcast_in_dim3A_270 = vector.shape_cast %reduce_sum3A_269 : vector<128xf32> to vector<128x1xf32>
    %div3A_271 = arith.constant 2.560000e+02 : f32
    %div3A_272 = vector.broadcast %div3A_271 : f32 to vector<128x1xf32>
    %div3A_273 = arith.divf %broadcast_in_dim3A_270, %div3A_272 : vector<128x1xf32>
    %get3A_274 = arith.constant 0 : index
    %get3A_275 = arith.constant 0 : index
    %get3A_276 = vector.load %arg25[%get3A_274, %get3A_275] : memref<1x256xf32, #tpu.memory_space<vmem>>, vector<1x256xf32>
    %mul3A_277 = vector.broadcast %get3A_276 : vector<1x256xf32> to vector<128x256xf32>
    %mul3A_278 = arith.mulf %mul3A_277, %sub3A_266 : vector<128x256xf32>
    %add3A_279 = arith.constant 9.99999974E-6 : f32
    %add3A_280 = vector.broadcast %add3A_279 : f32 to vector<128x1xf32>
    %add3A_281 = arith.addf %div3A_273, %add3A_280 : vector<128x1xf32>
    %rsqrt3A = math.rsqrt %add3A_281 : vector<128x1xf32>
    %mul3A_282 = vector.broadcast %rsqrt3A : vector<128x1xf32> to vector<128x256xf32>
    %mul3A_283 = arith.mulf %mul3A_278, %mul3A_282 : vector<128x256xf32>
    %get3A_284 = arith.constant 0 : index
    %get3A_285 = arith.constant 0 : index
    %get3A_286 = vector.load %arg26[%get3A_284, %get3A_285] : memref<1x256xf32, #tpu.memory_space<vmem>>, vector<1x256xf32>
    %add3A_287 = vector.broadcast %get3A_286 : vector<1x256xf32> to vector<128x256xf32>
    %add3A_288 = arith.addf %mul3A_283, %add3A_287 : vector<128x256xf32>
    %swap3A = arith.constant 0 : index
    %swap3A_289 = arith.constant 0 : index
    %swap3A_290 = vector.load %arg27[%swap3A, %swap3A_289] : memref<128x256xf32, #tpu.memory_space<vmem>>, vector<128x256xf32>
    tpu.vector_store %arg27[%swap3A, %swap3A_289], %add3A_288 {strides = array<i32>} : memref<128x256xf32, #tpu.memory_space<vmem>>, vector<128x256xf32>,
    return
  }
  func.func @transform_0(%arg0: i32) -> (i32, i32) {
    %c0_i32 = arith.constant 0 : i32
    %c0_i32_0 = arith.constant 0 : i32
    return %arg0, %c0_i32 : i32, i32
  }
  func.func @transform_1(%arg0: i32) -> (i32, i32) {
    %add3A = arith.constant 80 : i32
    %add3A_0 = arith.addi %arg0, %add3A : i32
    %c0_i32 = arith.constant 0 : i32
    %c0_i32_1 = arith.constant 0 : i32
    return %add3A_0, %c0_i32 : i32, i32
  }
  func.func @transform_2(%arg0: i32) -> (i32, i32) {
    %add3A = arith.constant 159 : i32
    %add3A_0 = arith.addi %arg0, %add3A : i32
    %c0_i32 = arith.constant 0 : i32
    %c0_i32_1 = arith.constant 0 : i32
    return %add3A_0, %c0_i32 : i32, i32
  }
  func.func @transform_3(%arg0: i32) -> (i32, i32) {
    %add3A = arith.constant 238 : i32
    %add3A_0 = arith.addi %arg0, %add3A : i32
    %c0_i32 = arith.constant 0 : i32
    %c0_i32_1 = arith.constant 0 : i32
    return %add3A_0, %c0_i32 : i32, i32
  }
  func.func @transform_4(%arg0: i32) -> (i32, i32) {
    %add3A = arith.constant 317 : i32
    %add3A_0 = arith.addi %arg0, %add3A : i32
    %c0_i32 = arith.constant 0 : i32
    %c0_i32_1 = arith.constant 0 : i32
    return %add3A_0, %c0_i32 : i32, i32
  }
  func.func @transform_5(%arg0: i32) -> (i32, i32) {
    %add3A = arith.constant 396 : i32
    %add3A_0 = arith.addi %arg0, %add3A : i32
    %c0_i32 = arith.constant 0 : i32
    %c0_i32_1 = arith.constant 0 : i32
    return %add3A_0, %c0_i32 : i32, i32
  }
  func.func @transform_6(%arg0: i32) -> (i32, i32) {
    %add3A = arith.constant 475 : i32
    %add3A_0 = arith.addi %arg0, %add3A : i32
    %c0_i32 = arith.constant 0 : i32
    %c0_i32_1 = arith.constant 0 : i32
    return %add3A_0, %c0_i32 : i32, i32
  }
  func.func @transform_7(%arg0: i32) -> (i32, i32) {
    %add3A = arith.constant 554 : i32
    %add3A_0 = arith.addi %arg0, %add3A : i32
    %c0_i32 = arith.constant 0 : i32
    %c0_i32_1 = arith.constant 0 : i32
    return %add3A_0, %c0_i32 : i32, i32
  }
  func.func @transform_8(%arg0: i32) -> (i32, i32) {
    %add3A = arith.constant 633 : i32
    %add3A_0 = arith.addi %arg0, %add3A : i32
    %c0_i32 = arith.constant 0 : i32
    %c0_i32_1 = arith.constant 0 : i32
    return %add3A_0, %c0_i32 : i32, i32
  }
  func.func @transform_9(%arg0: i32) -> (i32, i32) {
    %add3A = arith.constant 712 : i32
    %add3A_0 = arith.addi %arg0, %add3A : i32
    %c0_i32 = arith.constant 0 : i32
    %c0_i32_1 = arith.constant 0 : i32
    return %add3A_0, %c0_i32 : i32, i32
  }
  func.func @transform_10(%arg0: i32) -> (i32, i32) {
    %add3A = arith.constant 791 : i32
    %add3A_0 = arith.addi %arg0, %add3A : i32
    %c0_i32 = arith.constant 0 : i32
    %c0_i32_1 = arith.constant 0 : i32
    return %add3A_0, %c0_i32 : i32, i32
  }
  func.func @transform_11(%arg0: i32) -> (i32, i32) {
    %add3A = arith.constant 870 : i32
    %add3A_0 = arith.addi %arg0, %add3A : i32
    %c0_i32 = arith.constant 0 : i32
    %c0_i32_1 = arith.constant 0 : i32
    return %add3A_0, %c0_i32 : i32, i32
  }
  func.func @transform_12(%arg0: i32) -> (i32, i32) {
    %add3A = arith.constant 949 : i32
    %add3A_0 = arith.addi %arg0, %add3A : i32
    %c0_i32 = arith.constant 0 : i32
    %c0_i32_1 = arith.constant 0 : i32
    return %add3A_0, %c0_i32 : i32, i32
  }
  func.func @transform_13(%arg0: i32) -> (i32, i32) {
    %add3A = arith.constant 1028 : i32
    %add3A_0 = arith.addi %arg0, %add3A : i32
    %c0_i32 = arith.constant 0 : i32
    %c0_i32_1 = arith.constant 0 : i32
    return %add3A_0, %c0_i32 : i32, i32
  }
  func.func @transform_14(%arg0: i32) -> (i32, i32) {
    %add3A = arith.constant 1107 : i32
    %add3A_0 = arith.addi %arg0, %add3A : i32
    %c0_i32 = arith.constant 0 : i32
    %c0_i32_1 = arith.constant 0 : i32
    return %add3A_0, %c0_i32 : i32, i32
  }
  func.func @transform_15(%arg0: i32) -> (i32, i32) {
    %add3A = arith.constant 1186 : i32
    %add3A_0 = arith.addi %arg0, %add3A : i32
    %c0_i32 = arith.constant 0 : i32
    %c0_i32_1 = arith.constant 0 : i32
    return %add3A_0, %c0_i32 : i32, i32
  }
  func.func @transform_16(%arg0: i32) -> (i32, i32) {
    %add3A = arith.constant 1265 : i32
    %add3A_0 = arith.addi %arg0, %add3A : i32
    %c0_i32 = arith.constant 0 : i32
    %c0_i32_1 = arith.constant 0 : i32
    return %add3A_0, %c0_i32 : i32, i32
  }
  func.func @transform_17(%arg0: i32) -> (i32, i32) {
    %c0_i32 = arith.constant 0 : i32
    %c0_i32_0 = arith.constant 0 : i32
    return %arg0, %c0_i32 : i32, i32
  }
  func.func @transform_18(%arg0: i32) -> (i32, i32) {
    %c0_i32 = arith.constant 0 : i32
    %c0_i32_0 = arith.constant 0 : i32
    %c0_i32_1 = arith.constant 0 : i32
    return %c0_i32, %c0_i32_0 : i32, i32
  }
  func.func @transform_19(%arg0: i32) -> (i32, i32) {
    %c0_i32 = arith.constant 0 : i32
    %c0_i32_0 = arith.constant 0 : i32
    %c0_i32_1 = arith.constant 0 : i32
    return %c0_i32, %c0_i32_0 : i32, i32
  }
  func.func @transform_20(%arg0: i32) -> (i32, i32) {
    %c0_i32 = arith.constant 0 : i32
    %c0_i32_0 = arith.constant 0 : i32
    %c0_i32_1 = arith.constant 0 : i32
    return %c0_i32, %c0_i32_0 : i32, i32
  }
  func.func @transform_21(%arg0: i32) -> (i32, i32) {
    %c0_i32 = arith.constant 0 : i32
    %c0_i32_0 = arith.constant 0 : i32
    %c0_i32_1 = arith.constant 0 : i32
    return %c0_i32, %c0_i32_0 : i32, i32
  }
  func.func @transform_22(%arg0: i32) -> (i32, i32) {
    %c0_i32 = arith.constant 0 : i32
    %c0_i32_0 = arith.constant 0 : i32
    %c0_i32_1 = arith.constant 0 : i32
    return %c0_i32, %c0_i32_0 : i32, i32
  }
  func.func @transform_23(%arg0: i32) -> (i32, i32) {
    %c0_i32 = arith.constant 0 : i32
    %c0_i32_0 = arith.constant 0 : i32
    %c0_i32_1 = arith.constant 0 : i32
    return %c0_i32, %c0_i32_0 : i32, i32
  }
  func.func @transform_24(%arg0: i32) -> (i32, i32) {
    %c0_i32 = arith.constant 0 : i32
    %c0_i32_0 = arith.constant 0 : i32
    %c0_i32_1 = arith.constant 0 : i32
    return %c0_i32, %c0_i32_0 : i32, i32
  }
  func.func @transform_25(%arg0: i32) -> (i32, i32) {
    %c0_i32 = arith.constant 0 : i32
    %c0_i32_0 = arith.constant 0 : i32
    %c0_i32_1 = arith.constant 0 : i32
    return %c0_i32, %c0_i32_0 : i32, i32
  }
  func.func @transform_26(%arg0: i32) -> (i32, i32) {
    %c0_i32 = arith.constant 0 : i32
    %c0_i32_0 = arith.constant 0 : i32
    return %arg0, %c0_i32 : i32, i32
  }
}

</mosaic_0001>

<sc_bundles>
// kernel: kernel.4.cloned.1.call-start
scs
__scs_entry_jumppad:
0x0: {  	(pc) =	sbr.rel $0x88, $3  }
0x1: {  	(tag) =	ssettag $0x0;
	lr =	simm.s32 $0x1  }
0x2: {  	[smem:$0x3F95] =	sst lr;
	_ =	strace $0xD0000000  }
0x3: {  	_ = 	snop  }
0x4: {  	_ = 	snop  }
0x5: {  	_ = 	snop  }
0x6: {  	_ = 	snop  }
0x7: {  	_ = 	snop  }
__scs_overlays_trampoline_lowered:
0x8: {  	[smem:$0x3FA4] =	sst s0  }
0x9: {  	[smem:$0x3FA5] =	sst s1  }
0xa: {  	[smem:$0x3FA6] =	sst s2  }
0xb: {  	[smem:$0x3FA7] =	sst s3  }
0xc: {  	[smem:$0x3FA8] =	sst s4  }
0xd: {  	[smem:$0x3FA9] =	sst s5  }
0xe: {  	[smem:$0x3FAA] =	sst s6  }
0xf: {  	[smem:$0x3FAB] =	sst s7  }
0x10: {  	[smem:$0x3FAC] =	sst s8  }
0x11: {  	[smem:$0x3FAD] =	sst s9;
	s0 =	simm.s32 @!p0 $0x0  }
0x12: {  	s1 =	sld [smem:$0x3F93];
	s0 =	simm.s32 @p0 $0x1  }
0x13: {  	[smem:$0x3FAE] =	sst s0;
	s0 =	simm.s32 @!p1 $0x0  }
0x14: {  	s2 =	sld [smem:$0x3F92];
	s0 =	simm.s32 @p1 $0x1  }
0x15: {  	[smem:$0x3FAF] =	sst s0;
	s0 =	simm.s32 @!p2 $0x0  }
0x16: {  	s3 =	sld [smem:$0x3FDB];
	s0 =	simm.s32 @p2 $0x1  }
0x17: {  	s4 =	simm.s32 $0x1BF5;
	[smem:$0x3FB1] =	sst s0  }
0x18: {  	s0 =	sld [smem:$0x3F94];
	_ =	swait.ge [sflag:s4], $0x0  }
0x19: {  	s7 =	sld [smem:$0x3F95]  }
0x1a: {  	s8 =	sadd.s32 $0xFFFFE003, lr  }
0x1b: {  	s9 =	sadd.s32 $0xFFFFFEF7, lr;
	s5 =	simm.s32 $0xFFFFFFFF;
	p2 =	slt.u32 s8, $0xFFFFF086  }
0x1c: {  	p1 =	slt.u32 s9, $0xF7A;
	s5 =	simm.s32 @!p2 $0x0  }
0x1d: {  	s5 =	simm.s32 @p1 $0x1;
	p0 =	seq.s32 s7, s2  }
0x1e: {  	s7 =	smul.u32 @!p0 $0xF7A, s2;
	p2 =	seq.s32 @!p0 s5, $0x0  }
0x1f: {  	s9 =	smul.u32 $0xF7A, s1;
	s8 =	simm.s32 @!p0 $0x1BF5;
	p2 =	por !p2, p0  }
0x20: {  	[sflag:s8] =	ssyncset.s32 @!p0 $0xFFFFF086;
	s6 =	sadd.s32 @!p0 s3, s7;
	s7 =	simm.s32 @!p0 $0x108  }
0x21: {  	s3 =	sadd.s32 s3, s9;
	s6 =	sadd.s32 @!p0 $0x88, s6;
	s7 =	simm.s32 @p2 $0x1082  }
0x22: {  	[simem:s7], [sflag:s8] =	dma.local @!p0 [hbm:s6], $0xF7A  }
0x23: {  	s9 =	sor.u32 $0xD0000000, s2;
	s6 =	simm.s32 $0x108;
	_ =	swait.ge @!p0 [sflag:s8], $0x0  }
0x24: {  	s3 =	sadd.s32 $0x88, s3;
	s6 =	simm.s32 @!p1 $0x1082;
	[sflag:s4] =	ssyncset.s32 $0xFFFFF086  }
0x25: {  	[simem:s6], [sflag:s4] =	dma.local [hbm:s3], $0xF7A  }
0x26: {  	[smem:$0x3F95] =	sst s1;
	(tag) =	ssettag s2;
	_ =	strace s9  }
0x27: {  	s1 =	sld [smem:$0x3FA5]  }
0x28: {  	s2 =	sld [smem:$0x3FA6]  }
0x29: {  	s4 =	sld [smem:$0x3FA8]  }
0x2a: {  	p0 =	seq.s32 s5, $0x0;
	s5 =	sld [smem:$0x3FA9]  }
0x2b: {  	s6 =	sld [smem:$0x3FAA]  }
0x2c: {  	s7 =	sld [smem:$0x3FAB]  }
0x2d: {  	s3 =	simm.s32 $0x108;
	s8 =	sld [smem:$0x3FAC]  }
0x2e: {  	s3 =	simm.s32 @!p0 $0x1082;
	s9 =	sld [smem:$0x3FAD]  }
0x2f: {  	lr =	sadd.s32 s0, s3;
	s0 =	sld [smem:$0x3FA4]  }
0x30: {  	s3 =	sld [smem:$0x3FA7]  }
0x31: {  	[smem:$0x3FB0] =	sst s10  }
0x32: {  	s10 =	sld [smem:$0x3FAE];
	_ =	sdelay $0x3  }
0x33: {  	p0 =	seq.s32 s10, $0x1;
	s10 =	sld [smem:$0x3FB0];
	_ =	sdelay $0x3  }
0x34: {  	[smem:$0x3FB0] =	sst s10  }
0x35: {  	s10 =	sld [smem:$0x3FAF];
	_ =	sdelay $0x3  }
0x36: {  	p1 =	seq.s32 s10, $0x1;
	s10 =	sld [smem:$0x3FB0];
	_ =	sdelay $0x3  }
0x37: {  	[smem:$0x3FB0] =	sst s10  }
0x38: {  	s10 =	sld [smem:$0x3FB1]  }
0x39: {  	_ = 	snop;
	(pc) =	sbr.ind lr, $3  }
0x3a: {  	_ = 	snop  }
0x3b: {  	_ = 	snop  }
0x3c: {  	p2 =	seq.s32 s10, $0x1;
	s10 =	sld [smem:$0x3FB0]  }
0x3d: {  	_ =	shalt  }
0x3e: {  	_ =	shalt  }
0x3f: {  	_ =	shalt  }
0x40: {  	_ =	shalt  }
0x41: {  	_ =	shalt  }
0x42: {  	_ =	shalt  }
0x43: {  	_ =	shalt  }
0x44: {  	_ =	shalt  }
0x45: {  	_ =	shalt  }
0x46: {  	_ =	shalt  }
0x47: {  	_ =	shalt  }
0x48: {  	_ =	shalt  }
0x49: {  	_ =	shalt  }
0x4a: {  	_ =	shalt  }
0x4b: {  	_ =	shalt  }
0x4c: {  	_ =	shalt  }
0x4d: {  	_ =	shalt  }
0x4e: {  	_ =	shalt  }
0x4f: {  	_ =	shalt  }
0x50: {  	_ =	shalt  }
0x51: {  	_ =	shalt  }
0x52: {  	_ =	shalt  }
0x53: {  	_ =	shalt  }
0x54: {  	_ =	shalt  }
0x55: {  	_ =	shalt  }
0x56: {  	_ =	shalt  }
0x57: {  	_ =	shalt  }
0x58: {  	_ =	shalt  }
0x59: {  	_ =	shalt  }
0x5a: {  	_ =	shalt  }
0x5b: {  	_ =	shalt  }
0x5c: {  	_ =	shalt  }
0x5d: {  	_ =	shalt  }
0x5e: {  	_ =	shalt  }
0x5f: {  	_ =	shalt  }
0x60: {  	_ =	shalt  }
0x61: {  	_ =	shalt  }
0x62: {  	_ =	shalt  }
0x63: {  	_ =	shalt  }
0x64: {  	_ =	shalt  }
0x65: {  	_ =	shalt  }
0x66: {  	_ =	shalt  }
0x67: {  	_ =	shalt  }
0x68: {  	_ =	shalt  }
0x69: {  	_ =	shalt  }
0x6a: {  	_ =	shalt  }
0x6b: {  	_ =	shalt  }
0x6c: {  	_ =	shalt  }
0x6d: {  	_ =	shalt  }
0x6e: {  	_ =	shalt  }
0x6f: {  	_ =	shalt  }
0x70: {  	_ =	shalt  }
0x71: {  	_ =	shalt  }
0x72: {  	_ =	shalt  }
0x73: {  	_ =	shalt  }
0x74: {  	_ =	shalt  }
0x75: {  	_ =	shalt  }
0x76: {  	_ =	shalt  }
0x77: {  	_ =	shalt  }
0x78: {  	_ =	shalt  }
0x79: {  	_ =	shalt  }
0x7a: {  	_ =	shalt  }
0x7b: {  	_ =	shalt  }
0x7c: {  	_ =	shalt  }
0x7d: {  	_ =	shalt  }
0x7e: {  	_ =	shalt  }
0x7f: {  	_ =	shalt  }
0x80: {  	_ =	shalt  }
0x81: {  	_ =	shalt  }
0x82: {  	_ =	shalt  }
0x83: {  	_ =	shalt  }
0x84: {  	_ =	shalt  }
0x85: {  	_ =	shalt  }
0x86: {  	_ =	shalt  }
0x87: {  	_ =	shalt  }
.Lfunc_end0:
.L_simem_size_0:
called_computation_lowered:
.L_overlay_start_0:
0x88: {  	s2 =	sld [smem:$0x3FD9]  }
0x89: {  	s3 =	sld [smem:$0x3FFE];
	_ =	sdelay $0x1  }
0x8a: {  	s1 =	srdreg.scid  }
0x8b: {  	s0 =	sand.u32 $0x1, s1  }
0x8c: {  	s17 =	sshll.u32 s0, $0xA;
	s2 =	sadd.s32 s3, s2  }
0x8d: {  	s2 =	sadd.s32 s2, s17  }
0x8e: {  	[smem:$0x3FBC] =	sst s2  }
0x8f: {  	_ = 	snop  }
0x90: {  	s2 =	sld [smem:$0x3FC9]  }
0x91: {  	s18 =	sld [smem:$0x3FD0];
	(tm) =	ssettm $0x1  }
0x92: {  	s4 =	sld [smem:$0x3FFB];
	_ =	sdelay $0x3  }
0x93: {  	_ =	strace s4  }
0x94: {  	s4 =	sld [smem:$0x3FFC];
	_ =	sdelay $0x3  }
0x95: {  	_ =	strace s4  }
0x96: {  	s4 =	sld [smem:$0x3FFD];
	_ =	sdelay $0x3  }
0x97: {  	_ =	strace s4  }
0x98: {  	_ =	strace $0x8FFFFFFF  }
0x99: {  	s19 =	sld [smem:$0x3FDB];
	_ =	sdelay $0x1  }
0x9a: {  	s5 =	simm.s32 $_scs_section_size  }
0x9b: {  	s6 =	simm.s32 $_size__tile_overlayer_lowered;
	s7 =	simm.s32 $_tile_overlayer_lowered  }
0x9c: {  	s22 =	simm.s32 $0x1BFF;
	s21 =	sshll.u32 s7, $0x1;
	s4 =	sadd.s32 s5, s19  }
0x9d: {  	s8 =	simm.s32 $0x0;
	s20 =	sshll.u32 s6, $0x1;
	s6 =	sadd.s32 s21, s4  }
0x9e: {  	[timem:s8], [sflag:s22] =	dma.local [hbm:s6], s20  }
0x9f: {  	_ =	swait.ge [sflag:s22], s20  }
0xa0: {  	s5 =	ssub.s32 $0x0, s20;
	[sflag:s22] =	ssyncset.done $0x0  }
0xa1: {  	[sflag:s22] =	ssyncadd.s32 s5;
	_ =	sdelay $0x1  }
0xa2: {  	s23 =	simm.s32 $0x1B8B  }
0xa3: {  	_ =	swait.ge [sflag:s23], $0x1  }
0xa4: {  	[sflag:s23] =	ssyncset.done $0x0  }
0xa5: {  	s25 =	simm.s32 $0x1B8E;
	s24 =	sld [smem:$0x3FFE];
	[sflag:s23] =	ssyncadd.s32 $0xFFFFFFFF  }
0xa6: {  	s26 =	simm.s32 $execute0_lowered;
	[smem:$0x3FD2] =	sst s25  }
0xa7: {  	s6 =	sshll.u32 s26, $0x1;
	_ =	strace $0x80000046;
	[dreg:$0x1] =	wrdreg $0xFFFFFFFF  }
0xa8: {  	s28 =	simm.s32 $_size_execute0_lowered;
	s4 =	sadd.s32 s4, s6;
	[dreg:$0x0] =	wrdreg $0x0  }
0xa9: {  	s6 =	sshll.u32 s28, $0x1;
	[dreg:$0x2] =	wrdreg s4  }
0xaa: {  	[dreg:$0x3] =	wrdreg s6  }
0xab: {  	[dreg:$0x4] =	wrdreg $0xC0  }
0xac: {  	_ =	task [dreg:s8], $0x5FFFF  }
0xad: {  	[dreg:$0x1] =	wrdreg $0xFFFFFFFF  }
0xae: {  	[dreg:$0x0] =	wrdreg $0x60  }
0xaf: {  	[dreg:$0x2] =	wrdreg s2  }
0xb0: {  	[dreg:$0x3] =	wrdreg s18  }
0xb1: {  	[dreg:$0x4] =	wrdreg s24  }
0xb2: {  	[dreg:$0x5] =	wrdreg $0x9  }
0xb3: {  	_ =	task.clear_ibuf [dreg:s8], $0x6FFFF;
	_ =	strace $0x90000046  }
0xb4: {  	s29 =	simm.s32 $0x9;
	_ =	strace $0x80000048  }
0xb5: {  	_ =	swait.ge [sflag:s29], $0x1  }
0xb6: {  	[sflag:s29] =	ssyncadd.s32 $0xFFFFFFFF  }
0xb7: {  	_ =	strace $0x90000048  }
0xb8: {  	_ =	sfence  }
0xb9: {  	s30 =	sld [smem:$0x0];
	_ =	sdelay $0x2  }
0xba: {  	s31 =	sshll.u32 s1, $0xD;
	s1 =	sshrl.u32 s1, $0x2  }
0xbb: {  	s3 =	sand.u32 $0x4000, s31;
	s1 =	sadd.s32 s1, s30  }
0xbc: {  	s0 =	sor.u32 s3, s0;
	s1 =	sshll.u32 s1, $0x11  }
0xbd: {  	s0 =	sor.u32 s1, s0  }
0xbe: {  	s0 =	sadd.s32 $0x8F2B, s0  }
0xbf: {  	[sflag:s0] =	ssyncadd.remote.s32 $0x1  }
0xc0: {  	_ =	sfence.sel $0xFFFF  }
0xc1: {  	[dreg:$0x0] =	wrdreg $0xFFFFFFFF;
	(pc) =	sbr.abs _section_cstart, $3  }
0xc2: {  	[dreg:$0x1] =	wrdreg $0xFFFFFFFF  }
0xc3: {  	_ =	task.clear_ibuf [dreg:s8], $0x2FFFF;
	_ =	strace $0x9FFFFFFF  }
0xc4: {  	(tm) =	ssettm $0x7FFFFFFF  }
0xc5: {  	_ =	shalt  }
tec
execute0_lowered:
.L_overlay_start_1:
0x0: {  	(tag) =	ssettag $0x1  }
0x1: {  	s1 =	rddreg [dreg:$0x0]  }
0x2: {  	s0 =	srdreg.scid;
	s4 =	rddreg [dreg:$0x1]  }
0x3: {  	s8 =	stileid.u32;
	s5 =	rddreg [dreg:$0x2];
	s3 =	simm.s32 $0x0  }
0x4: {  	s21 =	simm.s32 $0x7500;
	s22 =	simm.s32 $0x7D00;
	s23 =	simm.s32 $0x8500  }
0x5: {  	s24 =	simm.s32 $0x8D00;
	s28 =	simm.s32 $0xA500;
	s29 =	simm.s32 $0xAD00  }
0x6: {  	s30 =	simm.s32 $0xB500;
	s31 =	simm.s32 $0xBD00;
	s11 =	simm.s32 $0xED00  }
0x7: {  	s12 =	simm.s32 $0xF500;
	s13 =	simm.s32 $0xFD00;
	s14 =	simm.s32 $0x10500  }
0x8: {  	s15 =	simm.s32 $0x10D00;
	s16 =	simm.s32 $0x1;
	s17 =	simm.s32 $0x2  }
0x9: {  	s19 =	simm.s32 $0x0;
	s0 =	sand.u32 $0x1, s0;
	s6 =	smul.u32 $0x54000, s8  }
0xa: {  	s2 =	sshll.u32 s8, $0x1;
	[smem:$0x7FF] =	sst s3;
	s8 =	smul.u32 $0x2A0000, s8  }
0xb: {  	s5 =	sadd.s32 $0x1600, s5;
	s2 =	sor.u32 s0, s2;
	s10 =	smul.u32 $0x150000, s0  }
0xc: {  	s7 =	ssub.s32 $0x2, s0;
	_ =	strace $0x80000047;
	s0 =	smul.u32 $0x2A000, s0  }
0xd: {  	s2 =	smul.u32 $0x1500, s2;
	s9 =	sshrl.u32 s7, $0x1;
	s6 =	sadd.s32 s6, s5  }
0xe: {  	s7 =	ssub.s32 s7, s9;
	s8 =	sadd.s32 s10, s8;
	s0 =	sadd.s32 s0, s6  }
0xf: {  	s9 =	simm.s32 $0x1500;
	s10 =	simm.s32 $0xE500;
	s2 =	sshrl.u32 s2, $0x3  }
.Ltmp0:
0x10: {  	s25 =	sshrl.u32 s8, $0x3;
	s26 =	smax.u32 s7, $0x1;
	(pc) =	sbr.rel .LBB2_1-.Ltmp0, $4  }
0x11: {  	s6 =	sadd.s32 $0x1000, s0;
	s8 =	simm.s32 $0x3;
	s0 =	simm.s32 $0xCD00  }
0x12: {  	v2 =	vlaneseq.u32;
	s2 =	sadd.s32 s4, s2;
	[dreg:$0x5] =	wrdreg s26;
	s7 =	sadd.s32 s25, s5  }
0x13: {  	vm0 =	vmmov $0xffff;
	v1 =	vshrl.u32 v2, $0x3;
	s25 =	simm.s32 $0x9500;
	s26 =	simm.s32 $0x9D00;
	s4 =	simm.s32 $0xD500  }
0x14: {  	v0 =	vand.u32 $0x7, v2;
	v2 =	vor.u32 $0x8, v2;
	v1 =	vmul.u32 $0x8, v1;
	s5 =	simm.s32 $0xDD00;
	[dreg:$0x4] =	wrdreg s2;
	s2 =	simm.s32 $0xC500  }
.LBB2_5:
0x15: {  	s19 =	rddreg [dreg:$0x6]  }
0x16: {  	s18 =	rddreg [dreg:$0x5];
	s19 =	sadd.s32 $0x1, s19  }
0x17: {  	p0 =	sne.s32 s19, s18  }
.Ltmp1:
0x18: {  	_ = 	snop;
	(pc) =	sbr.rel @!p0 .LBB2_6-.Ltmp1, $1  }
0x19: {  	_ =	sdelay $0x3  }
.LBB2_1:
0x1a: {  	[dreg:$0x6] =	wrdreg s19  }
0x1b: {  	s18 =	rddreg [dreg:$0x4]  }
0x1c: {  	[tilespmem:s3], [sflag:$0x3] =	stream.linear.gather [hbm4b:s18+s3], $0x1500, $0x38;
	[tilespmem:$0x11500] =	vst v63  }
0x1d: {  	_ =	swait.ge [sflag:s8], $0x1500  }
0x1e: {  	[sflag:s8] =	ssyncset.done $0x0  }
0x1f: {  	[sflag:s8] =	ssyncadd.s32 $0xFFFFEB00  }
0x20: {  	v3 =	vld [tilespmem:$0x0];
	_ =	sdelay $0x4  }
0x21: {  	v4 =	vshll.u32 v3, $0x1  }
0x22: {  	v3 =	vand.u32 $0x7, v3;
	v4 =	vand.u32 $0xFFFFFFF0, v4  }
0x23: {  	v3 =	vor.u32 v3, v4  }
0x24: {  	v4 =	vperm.xlane v3, v0;
	_ =	sdelay $0x1  }
0x25: {  	v3 =	vperm.xlane v3, v2;
	v4 =	vadd.s32 v1, v4;
	_ =	sdelay $0x1  }
0x26: {  	v3 =	vadd.s32 v1, v3;
	_ =	sdelay $0x2  }
0x27: {  	[tilespmem:s9], [sflag:$0x1] =	stream.indirect_vreg.gather [hbm4b:s1+s3], $0x80, v4, vm0, $0xb8;
	[tilespmem:$0x11500] =	vst v63  }
0x28: {  	s20 =	simm.s32 $0x1D00  }
0x29: {  	[tilespmem:s20], [sflag:$0x1] =	stream.indirect_vreg.gather [hbm4b:s1+s3], $0x80, v3, vm0, $0xb8;
	[tilespmem:$0x11500] =	vst v63  }
0x2a: {  	v3 =	vld [tilespmem:$0x10];
	_ =	sdelay $0x4  }
0x2b: {  	v57 =	vshll.u32 v3, $0x1  }
0x2c: {  	v3 =	vand.u32 $0x7, v3;
	v4 =	vand.u32 $0xFFFFFFF0, v57  }
0x2d: {  	v3 =	vor.u32 v3, v4  }
0x2e: {  	v4 =	vperm.xlane v3, v0;
	_ =	sdelay $0x1  }
0x2f: {  	v3 =	vperm.xlane v3, v2;
	v4 =	vadd.s32 v1, v4;
	_ =	sdelay $0x1  }
0x30: {  	v3 =	vadd.s32 v1, v3;
	_ =	sdelay $0x1  }
0x31: {  	s19 =	simm.s32 $0x2500  }
0x32: {  	[tilespmem:s19], [sflag:$0x1] =	stream.indirect_vreg.gather [hbm4b:s1+s3], $0x80, v4, vm0, $0xb8;
	[tilespmem:$0x11500] =	vst v63  }
0x33: {  	s20 =	simm.s32 $0x2D00  }
0x34: {  	[tilespmem:s20], [sflag:$0x1] =	stream.indirect_vreg.gather [hbm4b:s1+s3], $0x80, v3, vm0, $0xb8;
	[tilespmem:$0x11500] =	vst v63  }
0x35: {  	v3 =	vld [tilespmem:$0x20];
	_ =	sdelay $0x4  }
0x36: {  	v58 =	vshll.u32 v3, $0x1  }
0x37: {  	v3 =	vand.u32 $0x7, v3;
	v4 =	vand.u32 $0xFFFFFFF0, v58  }
0x38: {  	v3 =	vor.u32 v3, v4  }
0x39: {  	v4 =	vperm.xlane v3, v0;
	_ =	sdelay $0x1  }
0x3a: {  	v3 =	vperm.xlane v3, v2;
	v4 =	vadd.s32 v1, v4;
	_ =	sdelay $0x1  }
0x3b: {  	v3 =	vadd.s32 v1, v3;
	_ =	sdelay $0x1  }
0x3c: {  	s19 =	simm.s32 $0x3500  }
0x3d: {  	[tilespmem:s19], [sflag:$0x1] =	stream.indirect_vreg.gather [hbm4b:s1+s3], $0x80, v4, vm0, $0xb8;
	[tilespmem:$0x11500] =	vst v63  }
0x3e: {  	s20 =	simm.s32 $0x3D00  }
0x3f: {  	[tilespmem:s20], [sflag:$0x1] =	stream.indirect_vreg.gather [hbm4b:s1+s3], $0x80, v3, vm0, $0xb8;
	[tilespmem:$0x11500] =	vst v63  }
0x40: {  	v3 =	vld [tilespmem:$0x30];
	_ =	sdelay $0x4  }
0x41: {  	v59 =	vshll.u32 v3, $0x1  }
0x42: {  	v3 =	vand.u32 $0x7, v3;
	v4 =	vand.u32 $0xFFFFFFF0, v59  }
0x43: {  	v3 =	vor.u32 v3, v4  }
0x44: {  	v4 =	vperm.xlane v3, v0;
	_ =	sdelay $0x1  }
0x45: {  	v3 =	vperm.xlane v3, v2;
	v4 =	vadd.s32 v1, v4;
	_ =	sdelay $0x1  }
0x46: {  	v3 =	vadd.s32 v1, v3;
	_ =	sdelay $0x1  }
0x47: {  	s19 =	simm.s32 $0x4500  }
0x48: {  	[tilespmem:s19], [sflag:$0x1] =	stream.indirect_vreg.gather [hbm4b:s1+s3], $0x80, v4, vm0, $0xb8;
	[tilespmem:$0x11500] =	vst v63  }
0x49: {  	s20 =	simm.s32 $0x4D00  }
0x4a: {  	[tilespmem:s20], [sflag:$0x1] =	stream.indirect_vreg.gather [hbm4b:s1+s3], $0x80, v3, vm0, $0xb8;
	[tilespmem:$0x11500] =	vst v63  }
0x4b: {  	v3 =	vld [tilespmem:$0x40];
	_ =	sdelay $0x4  }
0x4c: {  	v60 =	vshll.u32 v3, $0x1  }
0x4d: {  	v3 =	vand.u32 $0x7, v3;
	v4 =	vand.u32 $0xFFFFFFF0, v60  }
0x4e: {  	v3 =	vor.u32 v3, v4  }
0x4f: {  	v4 =	vperm.xlane v3, v0;
	_ =	sdelay $0x1  }
0x50: {  	v3 =	vperm.xlane v3, v2;
	v4 =	vadd.s32 v1, v4;
	_ =	sdelay $0x1  }
0x51: {  	v3 =	vadd.s32 v1, v3;
	_ =	sdelay $0x1  }
0x52: {  	s19 =	simm.s32 $0x5500  }
0x53: {  	[tilespmem:s19], [sflag:$0x1] =	stream.indirect_vreg.gather [hbm4b:s1+s3], $0x80, v4, vm0, $0xb8;
	[tilespmem:$0x11500] =	vst v63  }
0x54: {  	s20 =	simm.s32 $0x5D00  }
0x55: {  	[tilespmem:s20], [sflag:$0x1] =	stream.indirect_vreg.gather [hbm4b:s1+s3], $0x80, v3, vm0, $0xb8;
	[tilespmem:$0x11500] =	vst v63  }
0x56: {  	v3 =	vld [tilespmem:$0x50];
	_ =	sdelay $0x4  }
0x57: {  	v61 =	vshll.u32 v3, $0x1  }
0x58: {  	v3 =	vand.u32 $0x7, v3;
	v4 =	vand.u32 $0xFFFFFFF0, v61  }
0x59: {  	v3 =	vor.u32 v3, v4  }
0x5a: {  	v4 =	vperm.xlane v3, v0;
	_ =	sdelay $0x1  }
0x5b: {  	v3 =	vperm.xlane v3, v2;
	v4 =	vadd.s32 v1, v4;
	_ =	sdelay $0x1  }
0x5c: {  	v3 =	vadd.s32 v1, v3;
	_ =	sdelay $0x1  }
0x5d: {  	s19 =	simm.s32 $0x6500  }
0x5e: {  	[tilespmem:s19], [sflag:$0x1] =	stream.indirect_vreg.gather [hbm4b:s1+s3], $0x80, v4, vm0, $0xb8;
	[tilespmem:$0x11500] =	vst v63  }
0x5f: {  	s20 =	simm.s32 $0x6D00  }
0x60: {  	[tilespmem:s20], [sflag:$0x1] =	stream.indirect_vreg.gather [hbm4b:s1+s3], $0x80, v3, vm0, $0xb8;
	[tilespmem:$0x11500] =	vst v63  }
0x61: {  	v3 =	vld [tilespmem:$0x60];
	_ =	sdelay $0x4  }
0x62: {  	v62 =	vshll.u32 v3, $0x1  }
0x63: {  	v3 =	vand.u32 $0x7, v3;
	v4 =	vand.u32 $0xFFFFFFF0, v62  }
0x64: {  	v3 =	vor.u32 v3, v4  }
0x65: {  	v4 =	vperm.xlane v3, v0;
	_ =	sdelay $0x1  }
0x66: {  	v3 =	vperm.xlane v3, v2;
	v4 =	vadd.s32 v1, v4;
	_ =	sdelay $0x1  }
0x67: {  	v3 =	vadd.s32 v1, v3;
	_ =	sdelay $0x2  }
0x68: {  	[tilespmem:s21], [sflag:$0x1] =	stream.indirect_vreg.gather [hbm4b:s1+s3], $0x80, v4, vm0, $0xb8;
	[tilespmem:$0x11500] =	vst v63  }
0x69: {  	_ = 	snop  }
0x6a: {  	[tilespmem:s22], [sflag:$0x1] =	stream.indirect_vreg.gather [hbm4b:s1+s3], $0x80, v3, vm0, $0xb8;
	[tilespmem:$0x11500] =	vst v63  }
0x6b: {  	v3 =	vld [tilespmem:$0x70];
	_ =	sdelay $0x4  }
0x6c: {  	v63 =	vshll.u32 v3, $0x1  }
0x6d: {  	v3 =	vand.u32 $0x7, v3;
	v4 =	vand.u32 $0xFFFFFFF0, v63  }
0x6e: {  	v3 =	vor.u32 v3, v4  }
0x6f: {  	v4 =	vperm.xlane v3, v0;
	_ =	sdelay $0x1  }
0x70: {  	v3 =	vperm.xlane v3, v2;
	v4 =	vadd.s32 v1, v4;
	_ =	sdelay $0x1  }
0x71: {  	v3 =	vadd.s32 v1, v3  }
.Ltmp2:
0x72: {  	_ = 	snop;
	(pc) =	sbr.rel .LBB2_2-.Ltmp2, $4  }
0x73: {  	_ = 	snop  }
0x74: {  	[tilespmem:s23], [sflag:$0x1] =	stream.indirect_vreg.gather [hbm4b:s1+s3], $0x80, v4, vm0, $0xb8;
	[tilespmem:$0x11500] =	vst v63  }
0x75: {  	s18 =	simm.s32 $0xC0;
	s19 =	simm.s32 $0x0  }
0x76: {  	[tilespmem:s24], [sflag:$0x1] =	stream.indirect_vreg.gather [hbm4b:s1+s3], $0x80, v3, vm0, $0xb8;
	[tilespmem:$0x11500] =	vst v63  }
.LBB2_4:
0x77: {  	_ =	swait.ge [sflag:s17], $0x8000;
	s20 =	sadd.s32 s19, s6;
	s19 =	sadd.s32 $0x2000, s19  }
0x78: {  	[sflag:s17] =	ssyncset.done $0x0;
	p0 =	sne.s32 s19, $0x2A000  }
.Ltmp3:
0x79: {  	[sflag:s17] =	ssyncadd.s32 $0xFFFF8000;
	(pc) =	sbr.rel @!p0 .LBB2_5-.Ltmp3, $4  }
0x7a: {  	[hbm4b:s20+s3] =	stream.linear.scatter [tilespmem:s25], [sflag:$0x3], $0x8000, $0x38;
	[tilespmem:$0x11500] =	vst v63  }
0x7b: {  	_ =	swait.ge [sflag:s8], $0x8000  }
0x7c: {  	[sflag:s8] =	ssyncset.done $0x0  }
0x7d: {  	s18 =	sadd.s32 $0x100, s18;
	[sflag:s8] =	ssyncadd.s32 $0xFFFF8000  }
.LBB2_2:
0x7e: {  	v3 =	vld [tilespmem:s18+$0xFFFFFFC0];
	_ =	sdelay $0x4  }
0x7f: {  	v4 =	vshll.u32 v3, $0x1  }
0x80: {  	v3 =	vand.u32 $0x7, v3;
	v4 =	vand.u32 $0xFFFFFFF0, v4  }
0x81: {  	v3 =	vor.u32 v3, v4  }
0x82: {  	v4 =	vperm.xlane v3, v0;
	_ =	sdelay $0x1  }
0x83: {  	v3 =	vperm.xlane v3, v2;
	v4 =	vadd.s32 v1, v4;
	_ =	sdelay $0x1  }
0x84: {  	v3 =	vadd.s32 v1, v3;
	_ =	sdelay $0x2  }
0x85: {  	[tilespmem:s25], [sflag:$0x2] =	stream.indirect_vreg.gather [hbm4b:s1+s3], $0x80, v4, vm0, $0xb8;
	[tilespmem:$0x11500] =	vst v63  }
0x86: {  	_ = 	snop  }
0x87: {  	[tilespmem:s26], [sflag:$0x2] =	stream.indirect_vreg.gather [hbm4b:s1+s3], $0x80, v3, vm0, $0xb8;
	[tilespmem:$0x11500] =	vst v63  }
0x88: {  	v3 =	vld [tilespmem:s18+$0xFFFFFFD0];
	_ =	sdelay $0x4  }
0x89: {  	v57 =	vshll.u32 v3, $0x1  }
0x8a: {  	v3 =	vand.u32 $0x7, v3;
	v4 =	vand.u32 $0xFFFFFFF0, v57  }
0x8b: {  	v3 =	vor.u32 v3, v4  }
0x8c: {  	v4 =	vperm.xlane v3, v0;
	_ =	sdelay $0x1  }
0x8d: {  	v3 =	vperm.xlane v3, v2;
	v4 =	vadd.s32 v1, v4;
	_ =	sdelay $0x1  }
0x8e: {  	v3 =	vadd.s32 v1, v3;
	_ =	sdelay $0x2  }
0x8f: {  	[tilespmem:s28], [sflag:$0x2] =	stream.indirect_vreg.gather [hbm4b:s1+s3], $0x80, v4, vm0, $0xb8;
	[tilespmem:$0x11500] =	vst v63  }
0x90: {  	_ = 	snop  }
0x91: {  	[tilespmem:s29], [sflag:$0x2] =	stream.indirect_vreg.gather [hbm4b:s1+s3], $0x80, v3, vm0, $0xb8;
	[tilespmem:$0x11500] =	vst v63  }
0x92: {  	v3 =	vld [tilespmem:s18+$0xFFFFFFE0];
	_ =	sdelay $0x4  }
0x93: {  	v58 =	vshll.u32 v3, $0x1  }
0x94: {  	v3 =	vand.u32 $0x7, v3;
	v4 =	vand.u32 $0xFFFFFFF0, v58  }
0x95: {  	v3 =	vor.u32 v3, v4  }
0x96: {  	v4 =	vperm.xlane v3, v0;
	_ =	sdelay $0x1  }
0x97: {  	v3 =	vperm.xlane v3, v2;
	v4 =	vadd.s32 v1, v4;
	_ =	sdelay $0x1  }
0x98: {  	v3 =	vadd.s32 v1, v3;
	_ =	sdelay $0x2  }
0x99: {  	[tilespmem:s30], [sflag:$0x2] =	stream.indirect_vreg.gather [hbm4b:s1+s3], $0x80, v4, vm0, $0xb8;
	[tilespmem:$0x11500] =	vst v63  }
0x9a: {  	_ = 	snop  }
0x9b: {  	[tilespmem:s31], [sflag:$0x2] =	stream.indirect_vreg.gather [hbm4b:s1+s3], $0x80, v3, vm0, $0xb8;
	[tilespmem:$0x11500] =	vst v63  }
0x9c: {  	v3 =	vld [tilespmem:s18+$0xFFFFFFF0];
	_ =	sdelay $0x4  }
0x9d: {  	v59 =	vshll.u32 v3, $0x1  }
0x9e: {  	v3 =	vand.u32 $0x7, v3;
	v4 =	vand.u32 $0xFFFFFFF0, v59  }
0x9f: {  	v3 =	vor.u32 v3, v4  }
0xa0: {  	v4 =	vperm.xlane v3, v0;
	_ =	sdelay $0x1  }
0xa1: {  	v3 =	vperm.xlane v3, v2;
	v4 =	vadd.s32 v1, v4;
	_ =	sdelay $0x1  }
0xa2: {  	v3 =	vadd.s32 v1, v3;
	_ =	sdelay $0x2  }
0xa3: {  	[tilespmem:s2], [sflag:$0x2] =	stream.indirect_vreg.gather [hbm4b:s1+s3], $0x80, v4, vm0, $0xb8;
	[tilespmem:$0x11500] =	vst v63  }
0xa4: {  	_ = 	snop  }
0xa5: {  	[tilespmem:s0], [sflag:$0x2] =	stream.indirect_vreg.gather [hbm4b:s1+s3], $0x80, v3, vm0, $0xb8;
	[tilespmem:$0x11500] =	vst v63  }
0xa6: {  	v3 =	vld [tilespmem:s18+$0x0];
	_ =	sdelay $0x4  }
0xa7: {  	v60 =	vshll.u32 v3, $0x1  }
0xa8: {  	v3 =	vand.u32 $0x7, v3;
	v4 =	vand.u32 $0xFFFFFFF0, v60  }
0xa9: {  	v3 =	vor.u32 v3, v4  }
0xaa: {  	v4 =	vperm.xlane v3, v0;
	_ =	sdelay $0x1  }
0xab: {  	v3 =	vperm.xlane v3, v2;
	v4 =	vadd.s32 v1, v4;
	_ =	sdelay $0x1  }
0xac: {  	v3 =	vadd.s32 v1, v3;
	_ =	sdelay $0x2  }
0xad: {  	[tilespmem:s4], [sflag:$0x2] =	stream.indirect_vreg.gather [hbm4b:s1+s3], $0x80, v4, vm0, $0xb8;
	[tilespmem:$0x11500] =	vst v63  }
0xae: {  	_ = 	snop  }
0xaf: {  	[tilespmem:s5], [sflag:$0x2] =	stream.indirect_vreg.gather [hbm4b:s1+s3], $0x80, v3, vm0, $0xb8;
	[tilespmem:$0x11500] =	vst v63  }
0xb0: {  	v3 =	vld [tilespmem:s18+$0x10];
	_ =	sdelay $0x4  }
0xb1: {  	v61 =	vshll.u32 v3, $0x1  }
0xb2: {  	v3 =	vand.u32 $0x7, v3;
	v4 =	vand.u32 $0xFFFFFFF0, v61  }
0xb3: {  	v3 =	vor.u32 v3, v4  }
0xb4: {  	v4 =	vperm.xlane v3, v0;
	_ =	sdelay $0x1  }
0xb5: {  	v3 =	vperm.xlane v3, v2;
	v4 =	vadd.s32 v1, v4;
	_ =	sdelay $0x1  }
0xb6: {  	v3 =	vadd.s32 v1, v3;
	_ =	sdelay $0x2  }
0xb7: {  	[tilespmem:s10], [sflag:$0x2] =	stream.indirect_vreg.gather [hbm4b:s1+s3], $0x80, v4, vm0, $0xb8;
	[tilespmem:$0x11500] =	vst v63  }
0xb8: {  	_ = 	snop  }
0xb9: {  	[tilespmem:s11], [sflag:$0x2] =	stream.indirect_vreg.gather [hbm4b:s1+s3], $0x80, v3, vm0, $0xb8;
	[tilespmem:$0x11500] =	vst v63  }
0xba: {  	v3 =	vld [tilespmem:s18+$0x20];
	_ =	sdelay $0x4  }
0xbb: {  	v62 =	vshll.u32 v3, $0x1  }
0xbc: {  	v3 =	vand.u32 $0x7, v3;
	v4 =	vand.u32 $0xFFFFFFF0, v62  }
0xbd: {  	v3 =	vor.u32 v3, v4  }
0xbe: {  	v4 =	vperm.xlane v3, v0;
	_ =	sdelay $0x1  }
0xbf: {  	v3 =	vperm.xlane v3, v2;
	v4 =	vadd.s32 v1, v4;
	_ =	sdelay $0x1  }
0xc0: {  	v3 =	vadd.s32 v1, v3;
	_ =	sdelay $0x2  }
0xc1: {  	[tilespmem:s12], [sflag:$0x2] =	stream.indirect_vreg.gather [hbm4b:s1+s3], $0x80, v4, vm0, $0xb8;
	[tilespmem:$0x11500] =	vst v63  }
0xc2: {  	_ = 	snop  }
0xc3: {  	[tilespmem:s13], [sflag:$0x2] =	stream.indirect_vreg.gather [hbm4b:s1+s3], $0x80, v3, vm0, $0xb8;
	[tilespmem:$0x11500] =	vst v63  }
0xc4: {  	v3 =	vld [tilespmem:s18+$0x30];
	_ =	sdelay $0x4  }
0xc5: {  	v63 =	vshll.u32 v3, $0x1  }
0xc6: {  	v3 =	vand.u32 $0x7, v3;
	v4 =	vand.u32 $0xFFFFFFF0, v63  }
0xc7: {  	v3 =	vor.u32 v3, v4  }
0xc8: {  	v4 =	vperm.xlane v3, v0;
	_ =	sdelay $0x1  }
0xc9: {  	v3 =	vperm.xlane v3, v2;
	v4 =	vadd.s32 v1, v4;
	_ =	sdelay $0x1  }
0xca: {  	v3 =	vadd.s32 v1, v3;
	_ =	sdelay $0x2  }
0xcb: {  	[tilespmem:s14], [sflag:$0x2] =	stream.indirect_vreg.gather [hbm4b:s1+s3], $0x80, v4, vm0, $0xb8;
	[tilespmem:$0x11500] =	vst v63  }
0xcc: {  	_ = 	snop  }
0xcd: {  	[tilespmem:s15], [sflag:$0x2] =	stream.indirect_vreg.gather [hbm4b:s1+s3], $0x80, v3, vm0, $0xb8;
	[tilespmem:$0x11500] =	vst v63  }
0xce: {  	_ =	swait.ge [sflag:s16], $0x8000  }
0xcf: {  	p0 =	seq.s32 s19, $0x28000;
	[sflag:s16] =	ssyncset.done $0x0  }
.Ltmp4:
0xd0: {  	s20 =	sadd.s32 s19, s7;
	[sflag:s16] =	ssyncadd.s32 $0xFFFF8000;
	(pc) =	sbr.rel @p0 .LBB2_4-.Ltmp4, $4  }
0xd1: {  	[hbm4b:s20+s3] =	stream.linear.scatter [tilespmem:s9], [sflag:$0x3], $0x8000, $0x38;
	[tilespmem:$0x11500] =	vst v63  }
0xd2: {  	_ =	swait.ge [sflag:s8], $0x8000  }
0xd3: {  	[sflag:s8] =	ssyncset.done $0x0  }
0xd4: {  	[sflag:s8] =	ssyncadd.s32 $0xFFFF8000  }
0xd5: {  	v3 =	vld [tilespmem:s18+$0x40];
	_ =	sdelay $0x4  }
0xd6: {  	v4 =	vshll.u32 v3, $0x1  }
0xd7: {  	v3 =	vand.u32 $0x7, v3;
	v4 =	vand.u32 $0xFFFFFFF0, v4  }
0xd8: {  	v3 =	vor.u32 v3, v4  }
0xd9: {  	v4 =	vperm.xlane v3, v0;
	_ =	sdelay $0x1  }
0xda: {  	v3 =	vperm.xlane v3, v2;
	v4 =	vadd.s32 v1, v4;
	_ =	sdelay $0x1  }
0xdb: {  	v3 =	vadd.s32 v1, v3;
	_ =	sdelay $0x2  }
0xdc: {  	[tilespmem:s9], [sflag:$0x1] =	stream.indirect_vreg.gather [hbm4b:s1+s3], $0x80, v4, vm0, $0xb8;
	[tilespmem:$0x11500] =	vst v63  }
0xdd: {  	s20 =	simm.s32 $0x1D00  }
0xde: {  	[tilespmem:s20], [sflag:$0x1] =	stream.indirect_vreg.gather [hbm4b:s1+s3], $0x80, v3, vm0, $0xb8;
	[tilespmem:$0x11500] =	vst v63  }
0xdf: {  	v3 =	vld [tilespmem:s18+$0x50];
	_ =	sdelay $0x4  }
0xe0: {  	v57 =	vshll.u32 v3, $0x1  }
0xe1: {  	v3 =	vand.u32 $0x7, v3;
	v4 =	vand.u32 $0xFFFFFFF0, v57  }
0xe2: {  	v3 =	vor.u32 v3, v4  }
0xe3: {  	v4 =	vperm.xlane v3, v0;
	_ =	sdelay $0x1  }
0xe4: {  	v3 =	vperm.xlane v3, v2;
	v4 =	vadd.s32 v1, v4;
	_ =	sdelay $0x1  }
0xe5: {  	v3 =	vadd.s32 v1, v3;
	_ =	sdelay $0x1  }
0xe6: {  	s20 =	simm.s32 $0x2500  }
0xe7: {  	[tilespmem:s20], [sflag:$0x1] =	stream.indirect_vreg.gather [hbm4b:s1+s3], $0x80, v4, vm0, $0xb8;
	[tilespmem:$0x11500] =	vst v63  }
0xe8: {  	s20 =	simm.s32 $0x2D00  }
0xe9: {  	[tilespmem:s20], [sflag:$0x1] =	stream.indirect_vreg.gather [hbm4b:s1+s3], $0x80, v3, vm0, $0xb8;
	[tilespmem:$0x11500] =	vst v63  }
0xea: {  	v3 =	vld [tilespmem:s18+$0x60];
	_ =	sdelay $0x4  }
0xeb: {  	v58 =	vshll.u32 v3, $0x1  }
0xec: {  	v3 =	vand.u32 $0x7, v3;
	v4 =	vand.u32 $0xFFFFFFF0, v58  }
0xed: {  	v3 =	vor.u32 v3, v4  }
0xee: {  	v4 =	vperm.xlane v3, v0;
	_ =	sdelay $0x1  }
0xef: {  	v3 =	vperm.xlane v3, v2;
	v4 =	vadd.s32 v1, v4;
	_ =	sdelay $0x1  }
0xf0: {  	v3 =	vadd.s32 v1, v3;
	_ =	sdelay $0x1  }
0xf1: {  	s20 =	simm.s32 $0x3500  }
0xf2: {  	[tilespmem:s20], [sflag:$0x1] =	stream.indirect_vreg.gather [hbm4b:s1+s3], $0x80, v4, vm0, $0xb8;
	[tilespmem:$0x11500] =	vst v63  }
0xf3: {  	s20 =	simm.s32 $0x3D00  }
0xf4: {  	[tilespmem:s20], [sflag:$0x1] =	stream.indirect_vreg.gather [hbm4b:s1+s3], $0x80, v3, vm0, $0xb8;
	[tilespmem:$0x11500] =	vst v63  }
0xf5: {  	v3 =	vld [tilespmem:s18+$0x70];
	_ =	sdelay $0x4  }
0xf6: {  	v59 =	vshll.u32 v3, $0x1  }
0xf7: {  	v3 =	vand.u32 $0x7, v3;
	v4 =	vand.u32 $0xFFFFFFF0, v59  }
0xf8: {  	v3 =	vor.u32 v3, v4  }
0xf9: {  	v4 =	vperm.xlane v3, v0;
	_ =	sdelay $0x1  }
0xfa: {  	v3 =	vperm.xlane v3, v2;
	v4 =	vadd.s32 v1, v4;
	_ =	sdelay $0x1  }
0xfb: {  	v3 =	vadd.s32 v1, v3;
	_ =	sdelay $0x1  }
0xfc: {  	s20 =	simm.s32 $0x4500  }
0xfd: {  	[tilespmem:s20], [sflag:$0x1] =	stream.indirect_vreg.gather [hbm4b:s1+s3], $0x80, v4, vm0, $0xb8;
	[tilespmem:$0x11500] =	vst v63  }
0xfe: {  	s20 =	simm.s32 $0x4D00  }
0xff: {  	[tilespmem:s20], [sflag:$0x1] =	stream.indirect_vreg.gather [hbm4b:s1+s3], $0x80, v3, vm0, $0xb8;
	[tilespmem:$0x11500] =	vst v63  }
0x100: {  	v3 =	vld [tilespmem:s18+$0x80];
	_ =	sdelay $0x4  }
0x101: {  	v60 =	vshll.u32 v3, $0x1  }
0x102: {  	v3 =	vand.u32 $0x7, v3;
	v4 =	vand.u32 $0xFFFFFFF0, v60  }
0x103: {  	v3 =	vor.u32 v3, v4  }
0x104: {  	v4 =	vperm.xlane v3, v0;
	_ =	sdelay $0x1  }
0x105: {  	v3 =	vperm.xlane v3, v2;
	v4 =	vadd.s32 v1, v4;
	_ =	sdelay $0x1  }
0x106: {  	v3 =	vadd.s32 v1, v3;
	_ =	sdelay $0x1  }
0x107: {  	s20 =	simm.s32 $0x5500  }
0x108: {  	[tilespmem:s20], [sflag:$0x1] =	stream.indirect_vreg.gather [hbm4b:s1+s3], $0x80, v4, vm0, $0xb8;
	[tilespmem:$0x11500] =	vst v63  }
0x109: {  	s20 =	simm.s32 $0x5D00  }
0x10a: {  	[tilespmem:s20], [sflag:$0x1] =	stream.indirect_vreg.gather [hbm4b:s1+s3], $0x80, v3, vm0, $0xb8;
	[tilespmem:$0x11500] =	vst v63  }
0x10b: {  	v3 =	vld [tilespmem:s18+$0x90];
	_ =	sdelay $0x4  }
0x10c: {  	v61 =	vshll.u32 v3, $0x1  }
0x10d: {  	v3 =	vand.u32 $0x7, v3;
	v4 =	vand.u32 $0xFFFFFFF0, v61  }
0x10e: {  	v3 =	vor.u32 v3, v4  }
0x10f: {  	v4 =	vperm.xlane v3, v0;
	_ =	sdelay $0x1  }
0x110: {  	v3 =	vperm.xlane v3, v2;
	v4 =	vadd.s32 v1, v4;
	_ =	sdelay $0x1  }
0x111: {  	v3 =	vadd.s32 v1, v3;
	_ =	sdelay $0x1  }
0x112: {  	s20 =	simm.s32 $0x6500  }
0x113: {  	[tilespmem:s20], [sflag:$0x1] =	stream.indirect_vreg.gather [hbm4b:s1+s3], $0x80, v4, vm0, $0xb8;
	[tilespmem:$0x11500] =	vst v63  }
0x114: {  	s20 =	simm.s32 $0x6D00  }
0x115: {  	[tilespmem:s20], [sflag:$0x1] =	stream.indirect_vreg.gather [hbm4b:s1+s3], $0x80, v3, vm0, $0xb8;
	[tilespmem:$0x11500] =	vst v63  }
0x116: {  	v3 =	vld [tilespmem:s18+$0xA0];
	_ =	sdelay $0x4  }
0x117: {  	v62 =	vshll.u32 v3, $0x1  }
0x118: {  	v3 =	vand.u32 $0x7, v3;
	v4 =	vand.u32 $0xFFFFFFF0, v62  }
0x119: {  	v3 =	vor.u32 v3, v4  }
0x11a: {  	v4 =	vperm.xlane v3, v0;
	_ =	sdelay $0x1  }
0x11b: {  	v3 =	vperm.xlane v3, v2;
	v4 =	vadd.s32 v1, v4;
	_ =	sdelay $0x1  }
0x11c: {  	v3 =	vadd.s32 v1, v3;
	_ =	sdelay $0x2  }
0x11d: {  	[tilespmem:s21], [sflag:$0x1] =	stream.indirect_vreg.gather [hbm4b:s1+s3], $0x80, v4, vm0, $0xb8;
	[tilespmem:$0x11500] =	vst v63  }
0x11e: {  	_ = 	snop  }
0x11f: {  	[tilespmem:s22], [sflag:$0x1] =	stream.indirect_vreg.gather [hbm4b:s1+s3], $0x80, v3, vm0, $0xb8;
	[tilespmem:$0x11500] =	vst v63  }
0x120: {  	v3 =	vld [tilespmem:s18+$0xB0];
	_ =	sdelay $0x4  }
0x121: {  	v63 =	vshll.u32 v3, $0x1  }
0x122: {  	v3 =	vand.u32 $0x7, v3;
	v4 =	vand.u32 $0xFFFFFFF0, v63  }
0x123: {  	v3 =	vor.u32 v3, v4  }
0x124: {  	v4 =	vperm.xlane v3, v0;
	_ =	sdelay $0x1  }
0x125: {  	v3 =	vperm.xlane v3, v2;
	v4 =	vadd.s32 v1, v4;
	_ =	sdelay $0x1  }
0x126: {  	v3 =	vadd.s32 v1, v3  }
.Ltmp5:
0x127: {  	_ = 	snop;
	(pc) =	sbr.rel .LBB2_4-.Ltmp5, $4  }
0x128: {  	_ = 	snop  }
0x129: {  	[tilespmem:s23], [sflag:$0x1] =	stream.indirect_vreg.gather [hbm4b:s1+s3], $0x80, v4, vm0, $0xb8;
	[tilespmem:$0x11500] =	vst v63  }
0x12a: {  	_ = 	snop  }
0x12b: {  	[tilespmem:s24], [sflag:$0x1] =	stream.indirect_vreg.gather [hbm4b:s1+s3], $0x80, v3, vm0, $0xb8;
	[tilespmem:$0x11500] =	vst v63  }
.LBB2_6:
0x12c: {  	_ =	sfence.sel $0x180000  }
0x12d: {  	[bflag:$0x0] =	sbarrier.arrive $0xFFFF  }
0x12e: {  	_ =	strace $0x90000047  }
0x12f: {  	s0 =	stileid.u32;
	[bflag:$0x2] =	sbarrier.arrive $0xFFFF  }
0x130: {  	p0 =	sne.s32 s0, $0x0;
	s0 =	rddreg [dreg:$0x3]  }
0x131: {  	s0 =	sadd.s32 @!p0 $0x100000, s0  }
0x132: {  	[sflag:s0] =	ssyncadd.tile.s32 @!p0 $0x1;
	_ =	shalt  }
.Lfunc_end2:
_tile_overlayer_lowered:
.L_overlay_start_2:
0x133: {  	(tag) =	ssettag $0x2  }
0x134: {  	s0 =	rddreg [dreg:$0x0];
	s2 =	stileid.u32  }
0x135: {  	s1 =	rddreg [dreg:$0x1];
	p0 =	sne.s32 s2, $0x0  }
0x136: {  	s3 =	rddreg [dreg:$0x2];
	[bflag:$0x3] =	sbarrier.arrive $0xFFFF;
	s2 =	simm.s32 @!p0 $0x1C03  }
0x137: {  	[timem:s3], [sflag:s2] =	dma.local @!p0 [hbm:s0], s1  }
0x138: {  	s0 =	simm.s32 @!p0 $0x3  }
0x139: {  	_ =	swait.ge @!p0 [sflag:s0], s1  }
0x13a: {  	s1 =	ssub.s32 @!p0 $0x0, s1;
	[sflag:s0] =	ssyncset.done @!p0 $0x0  }
0x13b: {  	[sflag:s0] =	ssyncadd.s32 @!p0 s1  }
0x13c: {  	[bflag:$0x3] =	sbarrier.arrive $0xFFFF  }
0x13d: {  	_ =	shalt  }

</sc_bundles>
